<compile_context>
chip_gen: v7x
topology: tpu7x:2x2x1
jax: 0.10.2.dev20260603
libtpu: 0.0.44.dev20260713+nightly
codegen_flags: <defaults>
</compile_context>

<pallas_src>
import functools

import jax
import jax.numpy as jnp
from jax import lax
from jax.experimental import pallas as pl
from jax.experimental.pallas import tpu as pltpu
from jax.experimental.pallas import tpu_sc as plsc

D = 768
CHUNK = 64
TC_BLK = 2048


def _sc_gather(xf, tok_table, *, n_tok):
    info = plsc.get_sparse_core_info()
    nw = info.num_cores * info.num_subcores
    per_w = n_tok // nw
    n_chunks = per_w // CHUNK

    mesh = plsc.VectorSubcoreMesh(core_axis_name="c", subcore_axis_name="s")

    @functools.partial(
        pl.kernel,
        mesh=mesh,
        out_type=jax.ShapeDtypeStruct((n_tok, D), jnp.float32),
        compiler_params=pltpu.CompilerParams(needs_layout_passes=False),
        scratch_types=[
            pltpu.VMEM((n_chunks, CHUNK), jnp.int32),
            pltpu.VMEM((CHUNK, D), jnp.float32),
            pltpu.VMEM((CHUNK, D), jnp.float32),
            pltpu.SemaphoreType.DMA,
            pltpu.SemaphoreType.DMA,
            pltpu.SemaphoreType.DMA,
        ],
    )
    def k(x_hbm, tok_hbm, out_hbm, idx_v, buf0, buf1, gsem, osem0, osem1):
        wid = lax.axis_index("s") * info.num_cores + lax.axis_index("c")
        base = wid * per_w
        pltpu.sync_copy(x_hbm.at[wid], idx_v)

        bufs = (buf0, buf1)
        osems = (osem0, osem1)
        pltpu.async_copy(tok_hbm.at[idx_v.at[0]], buf0, gsem).wait()
        for ci in range(1, n_chunks + 1):
            cur = (ci - 1) % 2
            nxt = ci % 2
            gn = None
            if ci < n_chunks:
                gn = pltpu.async_copy(tok_hbm.at[idx_v.at[ci]], bufs[nxt], gsem)
            out = pltpu.async_copy(
                bufs[cur], out_hbm.at[pl.ds(base + (ci - 1) * CHUNK, CHUNK)],
                osems[cur])
            if gn is not None:
                gn.wait()
            out.wait()

    return k(xf.reshape(nw, n_chunks, CHUNK), tok_table)


def _tc_add_ln(rows, pos_table, gamma2d, beta2d, *, seq_len, n_out_tok,
               base_blk, prev=None):
    n_blk = rows.shape[0] // TC_BLK
    pos_blocks = seq_len // TC_BLK
    n_batch = n_blk // pos_blocks

    def body(r_ref, p_ref, g_ref, b_ref, *rest):
        o_ref = rest[-1]
        h = r_ref[...] + p_ref[...]
        mean = jnp.mean(h, axis=-1, keepdims=True)
        c = h - mean
        var = jnp.mean(c * c, axis=-1, keepdims=True)
        inv = lax.rsqrt(var + 1e-5)
        o_ref[...] = c * inv * g_ref[...] + b_ref[...]

    in_specs = [
        pl.BlockSpec((TC_BLK, D), lambda i, j: (j * pos_blocks + i, 0)),
        pl.BlockSpec((TC_BLK, D), lambda i, j: (i, 0)),
        pl.BlockSpec((1, D), lambda i, j: (0, 0)),
        pl.BlockSpec((1, D), lambda i, j: (0, 0)),
    ]
    args = [rows, pos_table, gamma2d, beta2d]
    kwargs = {}
    if prev is not None:
        in_specs.append(pl.BlockSpec((8, D), lambda i, j: (0, 0)))
        args.append(prev)
        kwargs["input_output_aliases"] = {4: 0}
    return pl.pallas_call(
        body,
        grid=(pos_blocks, n_batch),
        in_specs=in_specs,
        out_specs=pl.BlockSpec(
            (TC_BLK, D), lambda i, j: (base_blk + j * pos_blocks + i, 0)),
        out_shape=jax.ShapeDtypeStruct((n_out_tok, D), jnp.float32),
        **kwargs,
    )(*args)


N_SLICES = 2


def kernel(x, tok_table, pos_table, gamma, beta):
    b, s = x.shape
    n_tok = b * s
    xf = x.reshape(n_tok).astype(jnp.int32)
    g2 = gamma.reshape(1, D)
    b2 = beta.reshape(1, D)
    per_slice = n_tok // N_SLICES
    rows = [
        _sc_gather(lax.slice(xf, (k * per_slice,), ((k + 1) * per_slice,)),
                   tok_table, n_tok=per_slice)
        for k in range(N_SLICES)
    ]
    out = None
    for k in range(N_SLICES):
        out = _tc_add_ln(rows[k], pos_table, g2, b2, seq_len=s,
                         n_out_tok=n_tok, base_blk=k * (per_slice // TC_BLK),
                         prev=out)
    return out.reshape(b, s, D)

# --- scband reference (transcript-rebuilt; emitter-appended) ---
"""Pipeline reference for scband-embedding-29686813950066 (READ-ONLY COPY).

The authoritative reference and input builder live on the scoring server;
editing this copy changes nothing except your own understanding.
"""

import jax, jax.numpy as jnp
import numpy as np

VOCAB_SIZE = 100000
D_MODEL = 768
MAXLEN = 2048
BATCH = 4
SEQ_LEN = 2048


def setup_inputs(seed: int = 0) -> dict:
    key = jax.random.key(seed)
    k1, k2, k3 = jax.random.split(key, 3)
    x = jax.random.randint(k1, (BATCH, SEQ_LEN), 0, VOCAB_SIZE, dtype=jnp.int64 if jax.config.jax_enable_x64 else jnp.int32)
    tok_table = jax.random.normal(k2, (VOCAB_SIZE, D_MODEL), dtype=jnp.float32)
    pos_table = jax.random.normal(k3, (MAXLEN, D_MODEL), dtype=jnp.float32)
    gamma = jnp.ones((D_MODEL,), dtype=jnp.float32)
    beta = jnp.zeros((D_MODEL,), dtype=jnp.float32)
    return {"x": x, "tok_table": tok_table, "pos_table": pos_table, "gamma": gamma, "beta": beta}


def _layer_norm(h, gamma, beta, eps=1e-5):
    mean = jnp.mean(h, axis=-1, keepdims=True)
    var = jnp.mean(jnp.square(h - mean), axis=-1, keepdims=True)
    h_norm = (h - mean) / jnp.sqrt(var + eps)
    return h_norm * gamma + beta


def reference(x, tok_table, pos_table, gamma, beta):
    seq_len = x.shape[1]
    pos = jnp.arange(seq_len, dtype=x.dtype)
    pos = jnp.broadcast_to(pos[None, :], x.shape)
    pos_embeddings = jnp.take(pos_table, pos, axis=0)
    tok_embeddings = jnp.take(tok_table, x, axis=0)
    output = tok_embeddings + pos_embeddings
    output = _layer_norm(output, gamma, beta)
    return output

if __name__ == "__main__":
    import jax
    _d = setup_inputs()
    print(jax.jit(kernel)(*tuple(_d.values())))

</pallas_src>

<mosaic_0001>
#map = affine_map<(d0, d1) -> (0, 0, 0)>
#map1 = affine_map<(d0, d1) -> (0, 0)>
module attributes {stable_mosaic.version = 14 : i64} {
  func.func @k(%arg0: i32, %arg1: i32, %arg2: memref<32x2x64xi32, #tpu.memory_space<hbm>>, %arg3: memref<100000x768xf32, #tpu.memory_space<hbm>>, %arg4: memref<4096x768xf32, #tpu.memory_space<hbm>>, %arg5: memref<2x64xi32, #tpu.memory_space<vmem>>, %arg6: memref<64x768xf32, #tpu.memory_space<vmem>>, %arg7: memref<64x768xf32, #tpu.memory_space<vmem>>, %arg8: memref<!tpu.dma_semaphore, #tpu.memory_space<semaphore_mem>>, %arg9: memref<!tpu.dma_semaphore, #tpu.memory_space<semaphore_mem>>, %arg10: memref<!tpu.dma_semaphore, #tpu.memory_space<semaphore_mem>>) attributes {dimension_semantics = [#tpu.dimension_semantics<core_parallel>, #tpu.dimension_semantics<subcore_parallel>], iteration_bounds = array<i64: 2, 16>, scalar_prefetch = 0 : i64, scratch_operands = 6 : i64, tpu.core_type = #tpu.core_type<sc_vector_subcore>, window_params = [{transform_indices = #map}, {transform_indices = #map1}, {transform_indices = #map1}]} {
    %mul3A = arith.constant 2 : i32
    %mul3A_0 = arith.muli %arg1, %mul3A : i32
    %add3A = arith.addi %mul3A_0, %arg0 : i32
    %mul3A_1 = arith.constant 128 : i32
    %mul3A_2 = arith.muli %add3A, %mul3A_1 : i32
    "tpu.region"() ({
      %run_scoped3A = tpu.sem_alloc : memref<!tpu.dma_semaphore, #tpu.memory_space<semaphore_mem>>
      %dma_start3A_49 = arith.constant 0 : i32
      %dma_start3A_50 = arith.constant 0 : i32
      %dma_start3A_51 = tpu.memref_slice %arg2[%add3A, %dma_start3A_49, %dma_start3A_50] : memref<32x2x64xi32, #tpu.memory_space<hbm>> -> memref<1x2x64xi32, #tpu.memory_space<hbm>>
      %dma_start3A_52 = tpu.memref_squeeze %dma_start3A_51 : memref<1x2x64xi32, #tpu.memory_space<hbm>> -> memref<2x64xi32, #tpu.memory_space<hbm>>
      %dma_start3A_53 = arith.constant 0 : i32
      %dma_start3A_54 = arith.constant 0 : i32
      %dma_start3A_55 = tpu.memref_slice %arg2[%add3A, %dma_start3A_53, %dma_start3A_54] : memref<32x2x64xi32, #tpu.memory_space<hbm>> -> memref<1x2x64xi32, #tpu.memory_space<hbm>>
      %dma_start3A_56 = tpu.memref_squeeze %dma_start3A_55 : memref<1x2x64xi32, #tpu.memory_space<hbm>> -> memref<2x64xi32, #tpu.memory_space<hbm>>
      tpu.enqueue_dma source(%dma_start3A_56 : memref<2x64xi32, #tpu.memory_space<hbm>>) target(%arg5 : memref<2x64xi32, #tpu.memory_space<vmem>>) target_semaphore(%run_scoped3A : memref<!tpu.dma_semaphore, #tpu.memory_space<semaphore_mem>>)
      %dma_wait3A_57 = arith.constant 0 : i32
      %dma_wait3A_58 = arith.constant 0 : i32
      %dma_wait3A_59 = tpu.memref_slice %arg2[%add3A, %dma_wait3A_57, %dma_wait3A_58] : memref<32x2x64xi32, #tpu.memory_space<hbm>> -> memref<1x2x64xi32, #tpu.memory_space<hbm>>
      %dma_wait3A_60 = tpu.memref_squeeze %dma_wait3A_59 : memref<1x2x64xi32, #tpu.memory_space<hbm>> -> memref<2x64xi32, #tpu.memory_space<hbm>>
      %dma_wait3A_61 = arith.constant 0 : i32
      %dma_wait3A_62 = arith.constant 0 : i32
      %dma_wait3A_63 = tpu.memref_slice %arg2[%add3A, %dma_wait3A_61, %dma_wait3A_62] : memref<32x2x64xi32, #tpu.memory_space<hbm>> -> memref<1x2x64xi32, #tpu.memory_space<hbm>>
      %dma_wait3A_64 = tpu.memref_squeeze %dma_wait3A_63 : memref<1x2x64xi32, #tpu.memory_space<hbm>> -> memref<2x64xi32, #tpu.memory_space<hbm>>
      tpu.wait_dma2 semaphore(%run_scoped3A : memref<!tpu.dma_semaphore, #tpu.memory_space<semaphore_mem>>) src(%dma_wait3A_64 : memref<2x64xi32, #tpu.memory_space<hbm>>) dst(%arg5 : memref<2x64xi32, #tpu.memory_space<vmem>>)
      tpu.yield
    }) : () -> ()
    %dma_start3A = arith.constant 0 : i32
    %dma_start3A_3 = arith.constant 0 : i32
    %dma_start3A_4 = tpu.memref_slice %arg5[%dma_start3A, %dma_start3A_3] : memref<2x64xi32, #tpu.memory_space<vmem>> -> memref<1x64xi32, #tpu.memory_space<vmem>>
    %dma_start3A_5 = tpu.memref_squeeze %dma_start3A_4 : memref<1x64xi32, #tpu.memory_space<vmem>> -> memref<64xi32, #tpu.memory_space<vmem>>
    %dma_start3A_6 = arith.constant 0 : i32
    %dma_start3A_7 = arith.constant 0 : i32
    %dma_start3A_8 = tpu.memref_slice %arg3[%dma_start3A_6, %dma_start3A_7] : memref<100000x768xf32, #tpu.memory_space<hbm>> -> memref<100000x768xf32, #tpu.memory_space<hbm>>
    tpu.enqueue_indirect_dma source(%dma_start3A_8 : memref<100000x768xf32, #tpu.memory_space<hbm>>) target(%arg6 : memref<64x768xf32, #tpu.memory_space<vmem>>) offsets(%dma_start3A_5 : memref<64xi32, #tpu.memory_space<vmem>>) semaphore(%arg8 : memref<!tpu.dma_semaphore, #tpu.memory_space<semaphore_mem>>)
    %dma_wait3A = arith.constant 0 : i32
    %dma_wait3A_9 = arith.constant 0 : i32
    %dma_wait3A_10 = tpu.memref_slice %arg5[%dma_wait3A, %dma_wait3A_9] : memref<2x64xi32, #tpu.memory_space<vmem>> -> memref<1x64xi32, #tpu.memory_space<vmem>>
    %dma_wait3A_11 = tpu.memref_squeeze %dma_wait3A_10 : memref<1x64xi32, #tpu.memory_space<vmem>> -> memref<64xi32, #tpu.memory_space<vmem>>
    %dma_wait3A_12 = arith.constant 0 : i32
    %dma_wait3A_13 = arith.constant 0 : i32
    %dma_wait3A_14 = tpu.memref_slice %arg3[%dma_wait3A_12, %dma_wait3A_13] : memref<100000x768xf32, #tpu.memory_space<hbm>> -> memref<100000x768xf32, #tpu.memory_space<hbm>>
    tpu.wait_indirect_dma semaphore(%arg8 : memref<!tpu.dma_semaphore, #tpu.memory_space<semaphore_mem>>) src(%dma_wait3A_14 : memref<100000x768xf32, #tpu.memory_space<hbm>>) dst(%arg6 : memref<64x768xf32, #tpu.memory_space<vmem>>)
    %dma_start3A_15 = arith.constant 1 : i32
    %dma_start3A_16 = arith.constant 0 : i32
    %dma_start3A_17 = tpu.memref_slice %arg5[%dma_start3A_15, %dma_start3A_16] : memref<2x64xi32, #tpu.memory_space<vmem>> -> memref<1x64xi32, #tpu.memory_space<vmem>>
    %dma_start3A_18 = tpu.memref_squeeze %dma_start3A_17 : memref<1x64xi32, #tpu.memory_space<vmem>> -> memref<64xi32, #tpu.memory_space<vmem>>
    %dma_start3A_19 = arith.constant 0 : i32
    %dma_start3A_20 = arith.constant 0 : i32
    %dma_start3A_21 = tpu.memref_slice %arg3[%dma_start3A_19, %dma_start3A_20] : memref<100000x768xf32, #tpu.memory_space<hbm>> -> memref<100000x768xf32, #tpu.memory_space<hbm>>
    tpu.enqueue_indirect_dma source(%dma_start3A_21 : memref<100000x768xf32, #tpu.memory_space<hbm>>) target(%arg7 : memref<64x768xf32, #tpu.memory_space<vmem>>) offsets(%dma_start3A_18 : memref<64xi32, #tpu.memory_space<vmem>>) semaphore(%arg8 : memref<!tpu.dma_semaphore, #tpu.memory_space<semaphore_mem>>)
    %add3A_22 = arith.constant 0 : i32
    %add3A_23 = arith.addi %mul3A_2, %add3A_22 : i32
    %dma_start3A_24 = arith.constant 0 : i32
    %dma_start3A_25 = tpu.memref_slice %arg4[%add3A_23, %dma_start3A_24] : memref<4096x768xf32, #tpu.memory_space<hbm>> -> memref<64x768xf32, #tpu.memory_space<hbm>>
    %dma_start3A_26 = arith.constant 0 : i32
    %dma_start3A_27 = tpu.memref_slice %arg4[%add3A_23, %dma_start3A_26] : memref<4096x768xf32, #tpu.memory_space<hbm>> -> memref<64x768xf32, #tpu.memory_space<hbm>>
    tpu.enqueue_dma source(%arg6 : memref<64x768xf32, #tpu.memory_space<vmem>>) target(%dma_start3A_27 : memref<64x768xf32, #tpu.memory_space<hbm>>) target_semaphore(%arg9 : memref<!tpu.dma_semaphore, #tpu.memory_space<semaphore_mem>>)
    %dma_wait3A_28 = arith.constant 1 : i32
    %dma_wait3A_29 = arith.constant 0 : i32
    %dma_wait3A_30 = tpu.memref_slice %arg5[%dma_wait3A_28, %dma_wait3A_29] : memref<2x64xi32, #tpu.memory_space<vmem>> -> memref<1x64xi32, #tpu.memory_space<vmem>>
    %dma_wait3A_31 = tpu.memref_squeeze %dma_wait3A_30 : memref<1x64xi32, #tpu.memory_space<vmem>> -> memref<64xi32, #tpu.memory_space<vmem>>
    %dma_wait3A_32 = arith.constant 0 : i32
    %dma_wait3A_33 = arith.constant 0 : i32
    %dma_wait3A_34 = tpu.memref_slice %arg3[%dma_wait3A_32, %dma_wait3A_33] : memref<100000x768xf32, #tpu.memory_space<hbm>> -> memref<100000x768xf32, #tpu.memory_space<hbm>>
    tpu.wait_indirect_dma semaphore(%arg8 : memref<!tpu.dma_semaphore, #tpu.memory_space<semaphore_mem>>) src(%dma_wait3A_34 : memref<100000x768xf32, #tpu.memory_space<hbm>>) dst(%arg7 : memref<64x768xf32, #tpu.memory_space<vmem>>)
    %dma_wait3A_35 = arith.constant 0 : i32
    %dma_wait3A_36 = tpu.memref_slice %arg4[%add3A_23, %dma_wait3A_35] : memref<4096x768xf32, #tpu.memory_space<hbm>> -> memref<64x768xf32, #tpu.memory_space<hbm>>
    %dma_wait3A_37 = arith.constant 0 : i32
    %dma_wait3A_38 = tpu.memref_slice %arg4[%add3A_23, %dma_wait3A_37] : memref<4096x768xf32, #tpu.memory_space<hbm>> -> memref<64x768xf32, #tpu.memory_space<hbm>>
    tpu.wait_dma2 semaphore(%arg9 : memref<!tpu.dma_semaphore, #tpu.memory_space<semaphore_mem>>) src(%arg6 : memref<64x768xf32, #tpu.memory_space<vmem>>) dst(%dma_wait3A_38 : memref<64x768xf32, #tpu.memory_space<hbm>>)
    %add3A_39 = arith.constant 64 : i32
    %add3A_40 = arith.addi %mul3A_2, %add3A_39 : i32
    %dma_start3A_41 = arith.constant 0 : i32
    %dma_start3A_42 = tpu.memref_slice %arg4[%add3A_40, %dma_start3A_41] : memref<4096x768xf32, #tpu.memory_space<hbm>> -> memref<64x768xf32, #tpu.memory_space<hbm>>
    %dma_start3A_43 = arith.constant 0 : i32
    %dma_start3A_44 = tpu.memref_slice %arg4[%add3A_40, %dma_start3A_43] : memref<4096x768xf32, #tpu.memory_space<hbm>> -> memref<64x768xf32, #tpu.memory_space<hbm>>
    tpu.enqueue_dma source(%arg7 : memref<64x768xf32, #tpu.memory_space<vmem>>) target(%dma_start3A_44 : memref<64x768xf32, #tpu.memory_space<hbm>>) target_semaphore(%arg10 : memref<!tpu.dma_semaphore, #tpu.memory_space<semaphore_mem>>)
    %dma_wait3A_45 = arith.constant 0 : i32
    %dma_wait3A_46 = tpu.memref_slice %arg4[%add3A_40, %dma_wait3A_45] : memref<4096x768xf32, #tpu.memory_space<hbm>> -> memref<64x768xf32, #tpu.memory_space<hbm>>
    %dma_wait3A_47 = arith.constant 0 : i32
    %dma_wait3A_48 = tpu.memref_slice %arg4[%add3A_40, %dma_wait3A_47] : memref<4096x768xf32, #tpu.memory_space<hbm>> -> memref<64x768xf32, #tpu.memory_space<hbm>>
    tpu.wait_dma2 semaphore(%arg10 : memref<!tpu.dma_semaphore, #tpu.memory_space<semaphore_mem>>) src(%arg7 : memref<64x768xf32, #tpu.memory_space<vmem>>) dst(%dma_wait3A_48 : memref<64x768xf32, #tpu.memory_space<hbm>>)
    return
  }
}

#map = affine_map<(d0, d1) -> (0, 0, 0)>
#map1 = affine_map<(d0, d1) -> (0, 0)>
module attributes {stable_mosaic.version = 14 : i64} {
  func.func @k(%arg0: i32, %arg1: i32, %arg2: memref<32x2x64xi32, #tpu.memory_space<hbm>>, %arg3: memref<100000x768xf32, #tpu.memory_space<hbm>>, %arg4: memref<4096x768xf32, #tpu.memory_space<hbm>>, %arg5: memref<2x64xi32, #tpu.memory_space<vmem>>, %arg6: memref<64x768xf32, #tpu.memory_space<vmem>>, %arg7: memref<64x768xf32, #tpu.memory_space<vmem>>, %arg8: memref<!tpu.dma_semaphore, #tpu.memory_space<semaphore_mem>>, %arg9: memref<!tpu.dma_semaphore, #tpu.memory_space<semaphore_mem>>, %arg10: memref<!tpu.dma_semaphore, #tpu.memory_space<semaphore_mem>>) attributes {dimension_semantics = [#tpu.dimension_semantics<core_parallel>, #tpu.dimension_semantics<subcore_parallel>], iteration_bounds = array<i64: 2, 16>, scalar_prefetch = 0 : i64, scratch_operands = 6 : i64, tpu.core_type = #tpu.core_type<sc_vector_subcore>, window_params = [{transform_indices = #map}, {transform_indices = #map1}, {transform_indices = #map1}]} {
    %mul3A = arith.constant 2 : i32
    %mul3A_0 = arith.muli %arg1, %mul3A : i32
    %add3A = arith.addi %mul3A_0, %arg0 : i32
    %mul3A_1 = arith.constant 128 : i32
    %mul3A_2 = arith.muli %add3A, %mul3A_1 : i32
    "tpu.region"() ({
      %run_scoped3A = tpu.sem_alloc : memref<!tpu.dma_semaphore, #tpu.memory_space<semaphore_mem>>
      %dma_start3A_49 = arith.constant 0 : i32
      %dma_start3A_50 = arith.constant 0 : i32
      %dma_start3A_51 = tpu.memref_slice %arg2[%add3A, %dma_start3A_49, %dma_start3A_50] : memref<32x2x64xi32, #tpu.memory_space<hbm>> -> memref<1x2x64xi32, #tpu.memory_space<hbm>>
      %dma_start3A_52 = tpu.memref_squeeze %dma_start3A_51 : memref<1x2x64xi32, #tpu.memory_space<hbm>> -> memref<2x64xi32, #tpu.memory_space<hbm>>
      %dma_start3A_53 = arith.constant 0 : i32
      %dma_start3A_54 = arith.constant 0 : i32
      %dma_start3A_55 = tpu.memref_slice %arg2[%add3A, %dma_start3A_53, %dma_start3A_54] : memref<32x2x64xi32, #tpu.memory_space<hbm>> -> memref<1x2x64xi32, #tpu.memory_space<hbm>>
      %dma_start3A_56 = tpu.memref_squeeze %dma_start3A_55 : memref<1x2x64xi32, #tpu.memory_space<hbm>> -> memref<2x64xi32, #tpu.memory_space<hbm>>
      tpu.enqueue_dma source(%dma_start3A_56 : memref<2x64xi32, #tpu.memory_space<hbm>>) target(%arg5 : memref<2x64xi32, #tpu.memory_space<vmem>>) target_semaphore(%run_scoped3A : memref<!tpu.dma_semaphore, #tpu.memory_space<semaphore_mem>>)
      %dma_wait3A_57 = arith.constant 0 : i32
      %dma_wait3A_58 = arith.constant 0 : i32
      %dma_wait3A_59 = tpu.memref_slice %arg2[%add3A, %dma_wait3A_57, %dma_wait3A_58] : memref<32x2x64xi32, #tpu.memory_space<hbm>> -> memref<1x2x64xi32, #tpu.memory_space<hbm>>
      %dma_wait3A_60 = tpu.memref_squeeze %dma_wait3A_59 : memref<1x2x64xi32, #tpu.memory_space<hbm>> -> memref<2x64xi32, #tpu.memory_space<hbm>>
      %dma_wait3A_61 = arith.constant 0 : i32
      %dma_wait3A_62 = arith.constant 0 : i32
      %dma_wait3A_63 = tpu.memref_slice %arg2[%add3A, %dma_wait3A_61, %dma_wait3A_62] : memref<32x2x64xi32, #tpu.memory_space<hbm>> -> memref<1x2x64xi32, #tpu.memory_space<hbm>>
      %dma_wait3A_64 = tpu.memref_squeeze %dma_wait3A_63 : memref<1x2x64xi32, #tpu.memory_space<hbm>> -> memref<2x64xi32, #tpu.memory_space<hbm>>
      tpu.wait_dma2 semaphore(%run_scoped3A : memref<!tpu.dma_semaphore, #tpu.memory_space<semaphore_mem>>) src(%dma_wait3A_64 : memref<2x64xi32, #tpu.memory_space<hbm>>) dst(%arg5 : memref<2x64xi32, #tpu.memory_space<vmem>>)
      tpu.yield
    }) : () -> ()
    %dma_start3A = arith.constant 0 : i32
    %dma_start3A_3 = arith.constant 0 : i32
    %dma_start3A_4 = tpu.memref_slice %arg5[%dma_start3A, %dma_start3A_3] : memref<2x64xi32, #tpu.memory_space<vmem>> -> memref<1x64xi32, #tpu.memory_space<vmem>>
    %dma_start3A_5 = tpu.memref_squeeze %dma_start3A_4 : memref<1x64xi32, #tpu.memory_space<vmem>> -> memref<64xi32, #tpu.memory_space<vmem>>
    %dma_start3A_6 = arith.constant 0 : i32
    %dma_start3A_7 = arith.constant 0 : i32
    %dma_start3A_8 = tpu.memref_slice %arg3[%dma_start3A_6, %dma_start3A_7] : memref<100000x768xf32, #tpu.memory_space<hbm>> -> memref<100000x768xf32, #tpu.memory_space<hbm>>
    tpu.enqueue_indirect_dma source(%dma_start3A_8 : memref<100000x768xf32, #tpu.memory_space<hbm>>) target(%arg6 : memref<64x768xf32, #tpu.memory_space<vmem>>) offsets(%dma_start3A_5 : memref<64xi32, #tpu.memory_space<vmem>>) semaphore(%arg8 : memref<!tpu.dma_semaphore, #tpu.memory_space<semaphore_mem>>)
    %dma_wait3A = arith.constant 0 : i32
    %dma_wait3A_9 = arith.constant 0 : i32
    %dma_wait3A_10 = tpu.memref_slice %arg5[%dma_wait3A, %dma_wait3A_9] : memref<2x64xi32, #tpu.memory_space<vmem>> -> memref<1x64xi32, #tpu.memory_space<vmem>>
    %dma_wait3A_11 = tpu.memref_squeeze %dma_wait3A_10 : memref<1x64xi32, #tpu.memory_space<vmem>> -> memref<64xi32, #tpu.memory_space<vmem>>
    %dma_wait3A_12 = arith.constant 0 : i32
    %dma_wait3A_13 = arith.constant 0 : i32
    %dma_wait3A_14 = tpu.memref_slice %arg3[%dma_wait3A_12, %dma_wait3A_13] : memref<100000x768xf32, #tpu.memory_space<hbm>> -> memref<100000x768xf32, #tpu.memory_space<hbm>>
    tpu.wait_indirect_dma semaphore(%arg8 : memref<!tpu.dma_semaphore, #tpu.memory_space<semaphore_mem>>) src(%dma_wait3A_14 : memref<100000x768xf32, #tpu.memory_space<hbm>>) dst(%arg6 : memref<64x768xf32, #tpu.memory_space<vmem>>)
    %dma_start3A_15 = arith.constant 1 : i32
    %dma_start3A_16 = arith.constant 0 : i32
    %dma_start3A_17 = tpu.memref_slice %arg5[%dma_start3A_15, %dma_start3A_16] : memref<2x64xi32, #tpu.memory_space<vmem>> -> memref<1x64xi32, #tpu.memory_space<vmem>>
    %dma_start3A_18 = tpu.memref_squeeze %dma_start3A_17 : memref<1x64xi32, #tpu.memory_space<vmem>> -> memref<64xi32, #tpu.memory_space<vmem>>
    %dma_start3A_19 = arith.constant 0 : i32
    %dma_start3A_20 = arith.constant 0 : i32
    %dma_start3A_21 = tpu.memref_slice %arg3[%dma_start3A_19, %dma_start3A_20] : memref<100000x768xf32, #tpu.memory_space<hbm>> -> memref<100000x768xf32, #tpu.memory_space<hbm>>
    tpu.enqueue_indirect_dma source(%dma_start3A_21 : memref<100000x768xf32, #tpu.memory_space<hbm>>) target(%arg7 : memref<64x768xf32, #tpu.memory_space<vmem>>) offsets(%dma_start3A_18 : memref<64xi32, #tpu.memory_space<vmem>>) semaphore(%arg8 : memref<!tpu.dma_semaphore, #tpu.memory_space<semaphore_mem>>)
    %add3A_22 = arith.constant 0 : i32
    %add3A_23 = arith.addi %mul3A_2, %add3A_22 : i32
    %dma_start3A_24 = arith.constant 0 : i32
    %dma_start3A_25 = tpu.memref_slice %arg4[%add3A_23, %dma_start3A_24] : memref<4096x768xf32, #tpu.memory_space<hbm>> -> memref<64x768xf32, #tpu.memory_space<hbm>>
    %dma_start3A_26 = arith.constant 0 : i32
    %dma_start3A_27 = tpu.memref_slice %arg4[%add3A_23, %dma_start3A_26] : memref<4096x768xf32, #tpu.memory_space<hbm>> -> memref<64x768xf32, #tpu.memory_space<hbm>>
    tpu.enqueue_dma source(%arg6 : memref<64x768xf32, #tpu.memory_space<vmem>>) target(%dma_start3A_27 : memref<64x768xf32, #tpu.memory_space<hbm>>) target_semaphore(%arg9 : memref<!tpu.dma_semaphore, #tpu.memory_space<semaphore_mem>>)
    %dma_wait3A_28 = arith.constant 1 : i32
    %dma_wait3A_29 = arith.constant 0 : i32
    %dma_wait3A_30 = tpu.memref_slice %arg5[%dma_wait3A_28, %dma_wait3A_29] : memref<2x64xi32, #tpu.memory_space<vmem>> -> memref<1x64xi32, #tpu.memory_space<vmem>>
    %dma_wait3A_31 = tpu.memref_squeeze %dma_wait3A_30 : memref<1x64xi32, #tpu.memory_space<vmem>> -> memref<64xi32, #tpu.memory_space<vmem>>
    %dma_wait3A_32 = arith.constant 0 : i32
    %dma_wait3A_33 = arith.constant 0 : i32
    %dma_wait3A_34 = tpu.memref_slice %arg3[%dma_wait3A_32, %dma_wait3A_33] : memref<100000x768xf32, #tpu.memory_space<hbm>> -> memref<100000x768xf32, #tpu.memory_space<hbm>>
    tpu.wait_indirect_dma semaphore(%arg8 : memref<!tpu.dma_semaphore, #tpu.memory_space<semaphore_mem>>) src(%dma_wait3A_34 : memref<100000x768xf32, #tpu.memory_space<hbm>>) dst(%arg7 : memref<64x768xf32, #tpu.memory_space<vmem>>)
    %dma_wait3A_35 = arith.constant 0 : i32
    %dma_wait3A_36 = tpu.memref_slice %arg4[%add3A_23, %dma_wait3A_35] : memref<4096x768xf32, #tpu.memory_space<hbm>> -> memref<64x768xf32, #tpu.memory_space<hbm>>
    %dma_wait3A_37 = arith.constant 0 : i32
    %dma_wait3A_38 = tpu.memref_slice %arg4[%add3A_23, %dma_wait3A_37] : memref<4096x768xf32, #tpu.memory_space<hbm>> -> memref<64x768xf32, #tpu.memory_space<hbm>>
    tpu.wait_dma2 semaphore(%arg9 : memref<!tpu.dma_semaphore, #tpu.memory_space<semaphore_mem>>) src(%arg6 : memref<64x768xf32, #tpu.memory_space<vmem>>) dst(%dma_wait3A_38 : memref<64x768xf32, #tpu.memory_space<hbm>>)
    %add3A_39 = arith.constant 64 : i32
    %add3A_40 = arith.addi %mul3A_2, %add3A_39 : i32
    %dma_start3A_41 = arith.constant 0 : i32
    %dma_start3A_42 = tpu.memref_slice %arg4[%add3A_40, %dma_start3A_41] : memref<4096x768xf32, #tpu.memory_space<hbm>> -> memref<64x768xf32, #tpu.memory_space<hbm>>
    %dma_start3A_43 = arith.constant 0 : i32
    %dma_start3A_44 = tpu.memref_slice %arg4[%add3A_40, %dma_start3A_43] : memref<4096x768xf32, #tpu.memory_space<hbm>> -> memref<64x768xf32, #tpu.memory_space<hbm>>
    tpu.enqueue_dma source(%arg7 : memref<64x768xf32, #tpu.memory_space<vmem>>) target(%dma_start3A_44 : memref<64x768xf32, #tpu.memory_space<hbm>>) target_semaphore(%arg10 : memref<!tpu.dma_semaphore, #tpu.memory_space<semaphore_mem>>)
    %dma_wait3A_45 = arith.constant 0 : i32
    %dma_wait3A_46 = tpu.memref_slice %arg4[%add3A_40, %dma_wait3A_45] : memref<4096x768xf32, #tpu.memory_space<hbm>> -> memref<64x768xf32, #tpu.memory_space<hbm>>
    %dma_wait3A_47 = arith.constant 0 : i32
    %dma_wait3A_48 = tpu.memref_slice %arg4[%add3A_40, %dma_wait3A_47] : memref<4096x768xf32, #tpu.memory_space<hbm>> -> memref<64x768xf32, #tpu.memory_space<hbm>>
    tpu.wait_dma2 semaphore(%arg10 : memref<!tpu.dma_semaphore, #tpu.memory_space<semaphore_mem>>) src(%arg7 : memref<64x768xf32, #tpu.memory_space<vmem>>) dst(%dma_wait3A_48 : memref<64x768xf32, #tpu.memory_space<hbm>>)
    return
  }
}

module attributes {stable_mosaic.version = 14 : i64} {
  func.func @body(%arg0: i32, %arg1: i32, %arg2: memref<2048x768xf32, #tpu.memory_space<vmem>>, %arg3: memref<2048x768xf32, #tpu.memory_space<vmem>>, %arg4: memref<1x768xf32, #tpu.memory_space<vmem>>, %arg5: memref<1x768xf32, #tpu.memory_space<vmem>>, %arg6: memref<2048x768xf32, #tpu.memory_space<vmem>>) attributes {dimension_semantics = [#tpu.dimension_semantics<arbitrary>, #tpu.dimension_semantics<arbitrary>], iteration_bounds = array<i64: 1, 2>, scalar_prefetch = 0 : i64, scratch_operands = 0 : i64, tpu.core_type = #tpu.core_type<tc>, window_params = [{transform_indices = @transform_0, window_bounds = array<i64: 2048, 768>}, {transform_indices = @transform_1, window_bounds = array<i64: 2048, 768>}, {pipeline_mode = #tpu.pipeline_mode<synchronous>, transform_indices = @transform_2, window_bounds = array<i64: 1, 768>}, {pipeline_mode = #tpu.pipeline_mode<synchronous>, transform_indices = @transform_3, window_bounds = array<i64: 1, 768>}, {transform_indices = @transform_4, window_bounds = array<i64: 2048, 768>}]} {
    %get3A = arith.constant 0 : index
    %get3A_0 = arith.constant 0 : index
    %get3A_1 = vector.load %arg2[%get3A, %get3A_0] : memref<2048x768xf32, #tpu.memory_space<vmem>>, vector<2048x768xf32>
    %get3A_2 = arith.constant 0 : index
    %get3A_3 = arith.constant 0 : index
    %get3A_4 = vector.load %arg3[%get3A_2, %get3A_3] : memref<2048x768xf32, #tpu.memory_space<vmem>>, vector<2048x768xf32>
    %add3A = arith.addf %get3A_1, %get3A_4 : vector<2048x768xf32>
    %reduce_sum3A = arith.constant dense<0.000000e+00> : vector<2048xf32>
    %reduce_sum3A_5 = vector.multi_reduction <add>, %add3A, %reduce_sum3A [1] : vector<2048x768xf32> to vector<2048xf32>
    %broadcast_in_dim3A = vector.shape_cast %reduce_sum3A_5 : vector<2048xf32> to vector<2048x1xf32>
    %div3A = arith.constant 7.680000e+02 : f32
    %div3A_6 = vector.broadcast %div3A : f32 to vector<2048x1xf32>
    %div3A_7 = arith.divf %broadcast_in_dim3A, %div3A_6 : vector<2048x1xf32>
    %sub3A = vector.broadcast %div3A_7 : vector<2048x1xf32> to vector<2048x768xf32>
    %sub3A_8 = arith.subf %add3A, %sub3A : vector<2048x768xf32>
    %mul3A = arith.mulf %sub3A_8, %sub3A_8 : vector<2048x768xf32>
    %reduce_sum3A_9 = arith.constant dense<0.000000e+00> : vector<2048xf32>
    %reduce_sum3A_10 = vector.multi_reduction <add>, %mul3A, %reduce_sum3A_9 [1] : vector<2048x768xf32> to vector<2048xf32>
    %broadcast_in_dim3A_11 = vector.shape_cast %reduce_sum3A_10 : vector<2048xf32> to vector<2048x1xf32>
    %div3A_12 = arith.constant 7.680000e+02 : f32
    %div3A_13 = vector.broadcast %div3A_12 : f32 to vector<2048x1xf32>
    %div3A_14 = arith.divf %broadcast_in_dim3A_11, %div3A_13 : vector<2048x1xf32>
    %add3A_15 = arith.constant 9.99999974E-6 : f32
    %add3A_16 = vector.broadcast %add3A_15 : f32 to vector<2048x1xf32>
    %add3A_17 = arith.addf %div3A_14, %add3A_16 : vector<2048x1xf32>
    %rsqrt3A = math.rsqrt %add3A_17 : vector<2048x1xf32>
    %mul3A_18 = vector.broadcast %rsqrt3A : vector<2048x1xf32> to vector<2048x768xf32>
    %mul3A_19 = arith.mulf %sub3A_8, %mul3A_18 : vector<2048x768xf32>
    %get3A_20 = arith.constant 0 : index
    %get3A_21 = arith.constant 0 : index
    %get3A_22 = vector.load %arg4[%get3A_20, %get3A_21] : memref<1x768xf32, #tpu.memory_space<vmem>>, vector<1x768xf32>
    %mul3A_23 = vector.broadcast %get3A_22 : vector<1x768xf32> to vector<2048x768xf32>
    %mul3A_24 = arith.mulf %mul3A_19, %mul3A_23 : vector<2048x768xf32>
    %get3A_25 = arith.constant 0 : index
    %get3A_26 = arith.constant 0 : index
    %get3A_27 = vector.load %arg5[%get3A_25, %get3A_26] : memref<1x768xf32, #tpu.memory_space<vmem>>, vector<1x768xf32>
    %add3A_28 = vector.broadcast %get3A_27 : vector<1x768xf32> to vector<2048x768xf32>
    %add3A_29 = arith.addf %mul3A_24, %add3A_28 : vector<2048x768xf32>
    %swap3A = arith.constant 0 : index
    %swap3A_30 = arith.constant 0 : index
    %swap3A_31 = vector.load %arg6[%swap3A, %swap3A_30] : memref<2048x768xf32, #tpu.memory_space<vmem>>, vector<2048x768xf32>
    tpu.vector_store %arg6[%swap3A, %swap3A_30], %add3A_29 {strides = array<i32>} : memref<2048x768xf32, #tpu.memory_space<vmem>>, vector<2048x768xf32>,
    return
  }
  func.func @transform_0(%arg0: i32, %arg1: i32) -> (i32, i32) {
    %mul3A = arith.constant 1 : i32
    %mul3A_0 = arith.muli %arg1, %mul3A : i32
    %add3A = arith.addi %mul3A_0, %arg0 : i32
    %c0_i32 = arith.constant 0 : i32
    %c0_i32_1 = arith.constant 0 : i32
    return %add3A, %c0_i32 : i32, i32
  }
  func.func @transform_1(%arg0: i32, %arg1: i32) -> (i32, i32) {
    %c0_i32 = arith.constant 0 : i32
    %c0_i32_0 = arith.constant 0 : i32
    return %arg0, %c0_i32 : i32, i32
  }
  func.func @transform_2(%arg0: i32, %arg1: i32) -> (i32, i32) {
    %c0_i32 = arith.constant 0 : i32
    %c0_i32_0 = arith.constant 0 : i32
    %c0_i32_1 = arith.constant 0 : i32
    return %c0_i32, %c0_i32_0 : i32, i32
  }
  func.func @transform_3(%arg0: i32, %arg1: i32) -> (i32, i32) {
    %c0_i32 = arith.constant 0 : i32
    %c0_i32_0 = arith.constant 0 : i32
    %c0_i32_1 = arith.constant 0 : i32
    return %c0_i32, %c0_i32_0 : i32, i32
  }
  func.func @transform_4(%arg0: i32, %arg1: i32) -> (i32, i32) {
    %mul3A = arith.constant 1 : i32
    %mul3A_0 = arith.muli %arg1, %mul3A : i32
    %add3A = arith.constant 0 : i32
    %add3A_1 = arith.addi %add3A, %mul3A_0 : i32
    %add3A_2 = arith.addi %add3A_1, %arg0 : i32
    %c0_i32 = arith.constant 0 : i32
    %c0_i32_3 = arith.constant 0 : i32
    return %add3A_2, %c0_i32 : i32, i32
  }
}

module attributes {stable_mosaic.version = 14 : i64} {
  func.func @body(%arg0: i32, %arg1: i32, %arg2: memref<2048x768xf32, #tpu.memory_space<vmem>>, %arg3: memref<2048x768xf32, #tpu.memory_space<vmem>>, %arg4: memref<1x768xf32, #tpu.memory_space<vmem>>, %arg5: memref<1x768xf32, #tpu.memory_space<vmem>>, %arg6: memref<8x768xf32, #tpu.memory_space<vmem>>, %arg7: memref<2048x768xf32, #tpu.memory_space<vmem>>) attributes {dimension_semantics = [#tpu.dimension_semantics<arbitrary>, #tpu.dimension_semantics<arbitrary>], iteration_bounds = array<i64: 1, 2>, scalar_prefetch = 0 : i64, scratch_operands = 0 : i64, tpu.core_type = #tpu.core_type<tc>, window_params = [{transform_indices = @transform_0, window_bounds = array<i64: 2048, 768>}, {transform_indices = @transform_1, window_bounds = array<i64: 2048, 768>}, {pipeline_mode = #tpu.pipeline_mode<synchronous>, transform_indices = @transform_2, window_bounds = array<i64: 1, 768>}, {pipeline_mode = #tpu.pipeline_mode<synchronous>, transform_indices = @transform_3, window_bounds = array<i64: 1, 768>}, {transform_indices = @transform_4, window_bounds = array<i64: 8, 768>}, {transform_indices = @transform_5, window_bounds = array<i64: 2048, 768>}]} {
    %get3A = arith.constant 0 : index
    %get3A_0 = arith.constant 0 : index
    %get3A_1 = vector.load %arg2[%get3A, %get3A_0] : memref<2048x768xf32, #tpu.memory_space<vmem>>, vector<2048x768xf32>
    %get3A_2 = arith.constant 0 : index
    %get3A_3 = arith.constant 0 : index
    %get3A_4 = vector.load %arg3[%get3A_2, %get3A_3] : memref<2048x768xf32, #tpu.memory_space<vmem>>, vector<2048x768xf32>
    %add3A = arith.addf %get3A_1, %get3A_4 : vector<2048x768xf32>
    %reduce_sum3A = arith.constant dense<0.000000e+00> : vector<2048xf32>
    %reduce_sum3A_5 = vector.multi_reduction <add>, %add3A, %reduce_sum3A [1] : vector<2048x768xf32> to vector<2048xf32>
    %broadcast_in_dim3A = vector.shape_cast %reduce_sum3A_5 : vector<2048xf32> to vector<2048x1xf32>
    %div3A = arith.constant 7.680000e+02 : f32
    %div3A_6 = vector.broadcast %div3A : f32 to vector<2048x1xf32>
    %div3A_7 = arith.divf %broadcast_in_dim3A, %div3A_6 : vector<2048x1xf32>
    %sub3A = vector.broadcast %div3A_7 : vector<2048x1xf32> to vector<2048x768xf32>
    %sub3A_8 = arith.subf %add3A, %sub3A : vector<2048x768xf32>
    %mul3A = arith.mulf %sub3A_8, %sub3A_8 : vector<2048x768xf32>
    %reduce_sum3A_9 = arith.constant dense<0.000000e+00> : vector<2048xf32>
    %reduce_sum3A_10 = vector.multi_reduction <add>, %mul3A, %reduce_sum3A_9 [1] : vector<2048x768xf32> to vector<2048xf32>
    %broadcast_in_dim3A_11 = vector.shape_cast %reduce_sum3A_10 : vector<2048xf32> to vector<2048x1xf32>
    %div3A_12 = arith.constant 7.680000e+02 : f32
    %div3A_13 = vector.broadcast %div3A_12 : f32 to vector<2048x1xf32>
    %div3A_14 = arith.divf %broadcast_in_dim3A_11, %div3A_13 : vector<2048x1xf32>
    %add3A_15 = arith.constant 9.99999974E-6 : f32
    %add3A_16 = vector.broadcast %add3A_15 : f32 to vector<2048x1xf32>
    %add3A_17 = arith.addf %div3A_14, %add3A_16 : vector<2048x1xf32>
    %rsqrt3A = math.rsqrt %add3A_17 : vector<2048x1xf32>
    %mul3A_18 = vector.broadcast %rsqrt3A : vector<2048x1xf32> to vector<2048x768xf32>
    %mul3A_19 = arith.mulf %sub3A_8, %mul3A_18 : vector<2048x768xf32>
    %get3A_20 = arith.constant 0 : index
    %get3A_21 = arith.constant 0 : index
    %get3A_22 = vector.load %arg4[%get3A_20, %get3A_21] : memref<1x768xf32, #tpu.memory_space<vmem>>, vector<1x768xf32>
    %mul3A_23 = vector.broadcast %get3A_22 : vector<1x768xf32> to vector<2048x768xf32>
    %mul3A_24 = arith.mulf %mul3A_19, %mul3A_23 : vector<2048x768xf32>
    %get3A_25 = arith.constant 0 : index
    %get3A_26 = arith.constant 0 : index
    %get3A_27 = vector.load %arg5[%get3A_25, %get3A_26] : memref<1x768xf32, #tpu.memory_space<vmem>>, vector<1x768xf32>
    %add3A_28 = vector.broadcast %get3A_27 : vector<1x768xf32> to vector<2048x768xf32>
    %add3A_29 = arith.addf %mul3A_24, %add3A_28 : vector<2048x768xf32>
    %swap3A = arith.constant 0 : index
    %swap3A_30 = arith.constant 0 : index
    %swap3A_31 = vector.load %arg7[%swap3A, %swap3A_30] : memref<2048x768xf32, #tpu.memory_space<vmem>>, vector<2048x768xf32>
    tpu.vector_store %arg7[%swap3A, %swap3A_30], %add3A_29 {strides = array<i32>} : memref<2048x768xf32, #tpu.memory_space<vmem>>, vector<2048x768xf32>,
    return
  }
  func.func @transform_0(%arg0: i32, %arg1: i32) -> (i32, i32) {
    %mul3A = arith.constant 1 : i32
    %mul3A_0 = arith.muli %arg1, %mul3A : i32
    %add3A = arith.addi %mul3A_0, %arg0 : i32
    %c0_i32 = arith.constant 0 : i32
    %c0_i32_1 = arith.constant 0 : i32
    return %add3A, %c0_i32 : i32, i32
  }
  func.func @transform_1(%arg0: i32, %arg1: i32) -> (i32, i32) {
    %c0_i32 = arith.constant 0 : i32
    %c0_i32_0 = arith.constant 0 : i32
    return %arg0, %c0_i32 : i32, i32
  }
  func.func @transform_2(%arg0: i32, %arg1: i32) -> (i32, i32) {
    %c0_i32 = arith.constant 0 : i32
    %c0_i32_0 = arith.constant 0 : i32
    %c0_i32_1 = arith.constant 0 : i32
    return %c0_i32, %c0_i32_0 : i32, i32
  }
  func.func @transform_3(%arg0: i32, %arg1: i32) -> (i32, i32) {
    %c0_i32 = arith.constant 0 : i32
    %c0_i32_0 = arith.constant 0 : i32
    %c0_i32_1 = arith.constant 0 : i32
    return %c0_i32, %c0_i32_0 : i32, i32
  }
  func.func @transform_4(%arg0: i32, %arg1: i32) -> (i32, i32) {
    %c0_i32 = arith.constant 0 : i32
    %c0_i32_0 = arith.constant 0 : i32
    %c0_i32_1 = arith.constant 0 : i32
    return %c0_i32, %c0_i32_0 : i32, i32
  }
  func.func @transform_5(%arg0: i32, %arg1: i32) -> (i32, i32) {
    %mul3A = arith.constant 1 : i32
    %mul3A_0 = arith.muli %arg1, %mul3A : i32
    %add3A = arith.constant 2 : i32
    %add3A_1 = arith.addi %add3A, %mul3A_0 : i32
    %add3A_2 = arith.addi %add3A_1, %arg0 : i32
    %c0_i32 = arith.constant 0 : i32
    %c0_i32_3 = arith.constant 0 : i32
    return %add3A_2, %c0_i32 : i32, i32
  }
}

</mosaic_0001>

<sc_bundles>
// kernel: kernel.6.cloned.1.call-start
scs
__scs_entry_jumppad:
0x0: {  	(pc) =	sbr.rel $0x88, $3  }
0x1: {  	(tag) =	ssettag $0x0;
	lr =	simm.s32 $0x1  }
0x2: {  	[smem:$0x3F9C] =	sst lr;
	_ =	strace $0xD0000000  }
0x3: {  	_ = 	snop  }
0x4: {  	_ = 	snop  }
0x5: {  	_ = 	snop  }
0x6: {  	_ = 	snop  }
0x7: {  	_ = 	snop  }
__scs_overlays_trampoline_lowered:
0x8: {  	[smem:$0x3FAB] =	sst s0  }
0x9: {  	[smem:$0x3FAC] =	sst s1  }
0xa: {  	[smem:$0x3FAD] =	sst s2  }
0xb: {  	[smem:$0x3FAE] =	sst s3  }
0xc: {  	[smem:$0x3FAF] =	sst s4  }
0xd: {  	[smem:$0x3FB0] =	sst s5  }
0xe: {  	[smem:$0x3FB1] =	sst s6  }
0xf: {  	[smem:$0x3FB2] =	sst s7  }
0x10: {  	[smem:$0x3FB3] =	sst s8  }
0x11: {  	[smem:$0x3FB4] =	sst s9;
	s0 =	simm.s32 @!p0 $0x0  }
0x12: {  	s1 =	sld [smem:$0x3F9A];
	s0 =	simm.s32 @p0 $0x1  }
0x13: {  	[smem:$0x3FB5] =	sst s0;
	s0 =	simm.s32 @!p1 $0x0  }
0x14: {  	s2 =	sld [smem:$0x3F99];
	s0 =	simm.s32 @p1 $0x1  }
0x15: {  	[smem:$0x3FB6] =	sst s0;
	s0 =	simm.s32 @!p2 $0x0  }
0x16: {  	s3 =	sld [smem:$0x3FDB];
	s0 =	simm.s32 @p2 $0x1  }
0x17: {  	s4 =	simm.s32 $0x1BF5;
	[smem:$0x3FB8] =	sst s0  }
0x18: {  	s0 =	sld [smem:$0x3F9B];
	_ =	swait.ge [sflag:s4], $0x0  }
0x19: {  	s7 =	sld [smem:$0x3F9C]  }
0x1a: {  	s8 =	sadd.s32 $0xFFFFE003, lr  }
0x1b: {  	s9 =	sadd.s32 $0xFFFFFEF7, lr;
	s5 =	simm.s32 $0xFFFFFFFF;
	p2 =	slt.u32 s8, $0xFFFFF086  }
0x1c: {  	p1 =	slt.u32 s9, $0xF7A;
	s5 =	simm.s32 @!p2 $0x0  }
0x1d: {  	s5 =	simm.s32 @p1 $0x1;
	p0 =	seq.s32 s7, s2  }
0x1e: {  	s7 =	smul.u32 @!p0 $0xF7A, s2;
	p2 =	seq.s32 @!p0 s5, $0x0  }
0x1f: {  	s9 =	smul.u32 $0xF7A, s1;
	s8 =	simm.s32 @!p0 $0x1BF5;
	p2 =	por !p2, p0  }
0x20: {  	[sflag:s8] =	ssyncset.s32 @!p0 $0xFFFFF086;
	s6 =	sadd.s32 @!p0 s3, s7;
	s7 =	simm.s32 @!p0 $0x108  }
0x21: {  	s3 =	sadd.s32 s3, s9;
	s6 =	sadd.s32 @!p0 $0x88, s6;
	s7 =	simm.s32 @p2 $0x1082  }
0x22: {  	[simem:s7], [sflag:s8] =	dma.local @!p0 [hbm:s6], $0xF7A  }
0x23: {  	s9 =	sor.u32 $0xD0000000, s2;
	s6 =	simm.s32 $0x108;
	_ =	swait.ge @!p0 [sflag:s8], $0x0  }
0x24: {  	s3 =	sadd.s32 $0x88, s3;
	s6 =	simm.s32 @!p1 $0x1082;
	[sflag:s4] =	ssyncset.s32 $0xFFFFF086  }
0x25: {  	[simem:s6], [sflag:s4] =	dma.local [hbm:s3], $0xF7A  }
0x26: {  	[smem:$0x3F9C] =	sst s1;
	(tag) =	ssettag s2;
	_ =	strace s9  }
0x27: {  	s1 =	sld [smem:$0x3FAC]  }
0x28: {  	s2 =	sld [smem:$0x3FAD]  }
0x29: {  	s4 =	sld [smem:$0x3FAF]  }
0x2a: {  	p0 =	seq.s32 s5, $0x0;
	s5 =	sld [smem:$0x3FB0]  }
0x2b: {  	s6 =	sld [smem:$0x3FB1]  }
0x2c: {  	s7 =	sld [smem:$0x3FB2]  }
0x2d: {  	s3 =	simm.s32 $0x108;
	s8 =	sld [smem:$0x3FB3]  }
0x2e: {  	s3 =	simm.s32 @!p0 $0x1082;
	s9 =	sld [smem:$0x3FB4]  }
0x2f: {  	lr =	sadd.s32 s0, s3;
	s0 =	sld [smem:$0x3FAB]  }
0x30: {  	s3 =	sld [smem:$0x3FAE]  }
0x31: {  	[smem:$0x3FB7] =	sst s10  }
0x32: {  	s10 =	sld [smem:$0x3FB5];
	_ =	sdelay $0x3  }
0x33: {  	p0 =	seq.s32 s10, $0x1;
	s10 =	sld [smem:$0x3FB7];
	_ =	sdelay $0x3  }
0x34: {  	[smem:$0x3FB7] =	sst s10  }
0x35: {  	s10 =	sld [smem:$0x3FB6];
	_ =	sdelay $0x3  }
0x36: {  	p1 =	seq.s32 s10, $0x1;
	s10 =	sld [smem:$0x3FB7];
	_ =	sdelay $0x3  }
0x37: {  	[smem:$0x3FB7] =	sst s10  }
0x38: {  	s10 =	sld [smem:$0x3FB8]  }
0x39: {  	_ = 	snop;
	(pc) =	sbr.ind lr, $3  }
0x3a: {  	_ = 	snop  }
0x3b: {  	_ = 	snop  }
0x3c: {  	p2 =	seq.s32 s10, $0x1;
	s10 =	sld [smem:$0x3FB7]  }
0x3d: {  	_ =	shalt  }
0x3e: {  	_ =	shalt  }
0x3f: {  	_ =	shalt  }
0x40: {  	_ =	shalt  }
0x41: {  	_ =	shalt  }
0x42: {  	_ =	shalt  }
0x43: {  	_ =	shalt  }
0x44: {  	_ =	shalt  }
0x45: {  	_ =	shalt  }
0x46: {  	_ =	shalt  }
0x47: {  	_ =	shalt  }
0x48: {  	_ =	shalt  }
0x49: {  	_ =	shalt  }
0x4a: {  	_ =	shalt  }
0x4b: {  	_ =	shalt  }
0x4c: {  	_ =	shalt  }
0x4d: {  	_ =	shalt  }
0x4e: {  	_ =	shalt  }
0x4f: {  	_ =	shalt  }
0x50: {  	_ =	shalt  }
0x51: {  	_ =	shalt  }
0x52: {  	_ =	shalt  }
0x53: {  	_ =	shalt  }
0x54: {  	_ =	shalt  }
0x55: {  	_ =	shalt  }
0x56: {  	_ =	shalt  }
0x57: {  	_ =	shalt  }
0x58: {  	_ =	shalt  }
0x59: {  	_ =	shalt  }
0x5a: {  	_ =	shalt  }
0x5b: {  	_ =	shalt  }
0x5c: {  	_ =	shalt  }
0x5d: {  	_ =	shalt  }
0x5e: {  	_ =	shalt  }
0x5f: {  	_ =	shalt  }
0x60: {  	_ =	shalt  }
0x61: {  	_ =	shalt  }
0x62: {  	_ =	shalt  }
0x63: {  	_ =	shalt  }
0x64: {  	_ =	shalt  }
0x65: {  	_ =	shalt  }
0x66: {  	_ =	shalt  }
0x67: {  	_ =	shalt  }
0x68: {  	_ =	shalt  }
0x69: {  	_ =	shalt  }
0x6a: {  	_ =	shalt  }
0x6b: {  	_ =	shalt  }
0x6c: {  	_ =	shalt  }
0x6d: {  	_ =	shalt  }
0x6e: {  	_ =	shalt  }
0x6f: {  	_ =	shalt  }
0x70: {  	_ =	shalt  }
0x71: {  	_ =	shalt  }
0x72: {  	_ =	shalt  }
0x73: {  	_ =	shalt  }
0x74: {  	_ =	shalt  }
0x75: {  	_ =	shalt  }
0x76: {  	_ =	shalt  }
0x77: {  	_ =	shalt  }
0x78: {  	_ =	shalt  }
0x79: {  	_ =	shalt  }
0x7a: {  	_ =	shalt  }
0x7b: {  	_ =	shalt  }
0x7c: {  	_ =	shalt  }
0x7d: {  	_ =	shalt  }
0x7e: {  	_ =	shalt  }
0x7f: {  	_ =	shalt  }
0x80: {  	_ =	shalt  }
0x81: {  	_ =	shalt  }
0x82: {  	_ =	shalt  }
0x83: {  	_ =	shalt  }
0x84: {  	_ =	shalt  }
0x85: {  	_ =	shalt  }
0x86: {  	_ =	shalt  }
0x87: {  	_ =	shalt  }
.Lfunc_end0:
.L_simem_size_0:
called_computation_lowered:
.L_overlay_start_0:
0x88: {  	s2 =	sld [smem:$0x3FD9]  }
0x89: {  	s3 =	sld [smem:$0x3FFE];
	_ =	sdelay $0x1  }
0x8a: {  	s1 =	srdreg.scid  }
0x8b: {  	s0 =	sand.u32 $0x1, s1  }
0x8c: {  	s17 =	sshll.u32 s0, $0xA;
	s2 =	sadd.s32 s3, s2  }
0x8d: {  	s2 =	sadd.s32 s2, s17  }
0x8e: {  	[smem:$0x3FC3] =	sst s2  }
0x8f: {  	_ = 	snop  }
0x90: {  	s2 =	sld [smem:$0x3FC8]  }
0x91: {  	s18 =	sld [smem:$0x3FD0];
	(tm) =	ssettm $0x1  }
0x92: {  	s4 =	sld [smem:$0x3FFB];
	_ =	sdelay $0x3  }
0x93: {  	_ =	strace s4  }
0x94: {  	s4 =	sld [smem:$0x3FFC];
	_ =	sdelay $0x3  }
0x95: {  	_ =	strace s4  }
0x96: {  	s4 =	sld [smem:$0x3FFD];
	_ =	sdelay $0x3  }
0x97: {  	_ =	strace s4  }
0x98: {  	_ =	strace $0x8FFFFFFF  }
0x99: {  	s19 =	sld [smem:$0x3FDB];
	_ =	sdelay $0x1  }
0x9a: {  	s5 =	simm.s32 $_scs_section_size  }
0x9b: {  	s6 =	simm.s32 $_size__tile_overlayer_lowered;
	s7 =	simm.s32 $_tile_overlayer_lowered  }
0x9c: {  	s22 =	simm.s32 $0x1BFF;
	s21 =	sshll.u32 s7, $0x1;
	s4 =	sadd.s32 s5, s19  }
0x9d: {  	s8 =	simm.s32 $0x0;
	s20 =	sshll.u32 s6, $0x1;
	s6 =	sadd.s32 s21, s4  }
0x9e: {  	[timem:s8], [sflag:s22] =	dma.local [hbm:s6], s20  }
0x9f: {  	_ =	swait.ge [sflag:s22], s20  }
0xa0: {  	s5 =	ssub.s32 $0x0, s20;
	[sflag:s22] =	ssyncset.done $0x0  }
0xa1: {  	[sflag:s22] =	ssyncadd.s32 s5;
	_ =	sdelay $0x1  }
0xa2: {  	s23 =	simm.s32 $0x1B8B  }
0xa3: {  	_ =	swait.ge [sflag:s23], $0x1  }
0xa4: {  	[sflag:s23] =	ssyncset.done $0x0  }
0xa5: {  	s25 =	simm.s32 $0x1B8E;
	s24 =	sld [smem:$0x3FFE];
	[sflag:s23] =	ssyncadd.s32 $0xFFFFFFFF  }
0xa6: {  	s26 =	simm.s32 $execute0_lowered;
	[smem:$0x3FD2] =	sst s25  }
0xa7: {  	s6 =	sshll.u32 s26, $0x1;
	_ =	strace $0x80000046;
	[dreg:$0x1] =	wrdreg $0xFFFFFFFF  }
0xa8: {  	s28 =	simm.s32 $_size_execute0_lowered;
	s4 =	sadd.s32 s4, s6;
	[dreg:$0x0] =	wrdreg $0x0  }
0xa9: {  	s6 =	sshll.u32 s28, $0x1;
	[dreg:$0x2] =	wrdreg s4  }
0xaa: {  	[dreg:$0x3] =	wrdreg s6  }
0xab: {  	[dreg:$0x4] =	wrdreg $0xC0  }
0xac: {  	_ =	task [dreg:s8], $0x5FFFF  }
0xad: {  	[dreg:$0x1] =	wrdreg $0xFFFFFFFF  }
0xae: {  	[dreg:$0x0] =	wrdreg $0x60  }
0xaf: {  	[dreg:$0x2] =	wrdreg s24  }
0xb0: {  	[dreg:$0x3] =	wrdreg s2  }
0xb1: {  	[dreg:$0x4] =	wrdreg s18  }
0xb2: {  	[dreg:$0x5] =	wrdreg $0x9  }
0xb3: {  	_ =	task.clear_ibuf [dreg:s8], $0x6FFFF;
	_ =	strace $0x90000046  }
0xb4: {  	s29 =	simm.s32 $0x9;
	_ =	strace $0x80000048  }
0xb5: {  	_ =	swait.ge [sflag:s29], $0x1  }
0xb6: {  	[sflag:s29] =	ssyncadd.s32 $0xFFFFFFFF  }
0xb7: {  	_ =	strace $0x90000048  }
0xb8: {  	_ =	sfence  }
0xb9: {  	s30 =	sld [smem:$0x0];
	_ =	sdelay $0x2  }
0xba: {  	s31 =	sshll.u32 s1, $0xD;
	s1 =	sshrl.u32 s1, $0x2  }
0xbb: {  	s3 =	sand.u32 $0x4000, s31;
	s1 =	sadd.s32 s1, s30  }
0xbc: {  	s0 =	sor.u32 s3, s0;
	s1 =	sshll.u32 s1, $0x11  }
0xbd: {  	s0 =	sor.u32 s1, s0  }
0xbe: {  	s0 =	sadd.s32 $0x8F2B, s0  }
0xbf: {  	[sflag:s0] =	ssyncadd.remote.s32 $0x1  }
0xc0: {  	_ =	sfence.sel $0xFFFF  }
0xc1: {  	[dreg:$0x0] =	wrdreg $0xFFFFFFFF;
	(pc) =	sbr.abs _section_cstart, $3  }
0xc2: {  	[dreg:$0x1] =	wrdreg $0xFFFFFFFF  }
0xc3: {  	_ =	task.clear_ibuf [dreg:s8], $0x2FFFF;
	_ =	strace $0x9FFFFFFF  }
0xc4: {  	(tm) =	ssettm $0x7FFFFFFF  }
0xc5: {  	_ =	shalt  }
tec
execute0_lowered:
.L_overlay_start_1:
0x0: {  	(tag) =	ssettag $0x1  }
0x1: {  	s1 =	rddreg [dreg:$0x0]  }
0x2: {  	s2 =	rddreg [dreg:$0x1];
	s3 =	srdreg.scid  }
0x3: {  	s4 =	rddreg [dreg:$0x2];
	s5 =	sand.u32 $0x1, s3;
	s3 =	simm.s32 $0x0  }
0x4: {  	s21 =	simm.s32 $0x900;
	[smem:$0x7FF] =	sst s3  }
0x5: {  	s22 =	simm.s32 $0x1100;
	_ =	strace $0x80000047;
	[dreg:$0x7] =	wrdreg s21  }
0x6: {  	s23 =	simm.s32 $0x1900;
	[dreg:$0x8] =	wrdreg s22  }
0x7: {  	s24 =	simm.s32 $0x2100;
	[dreg:$0x9] =	wrdreg s23  }
0x8: {  	s25 =	simm.s32 $0x2900;
	[dreg:$0xa] =	wrdreg s24  }
0x9: {  	s0 =	stileid.u32;
	s26 =	simm.s32 $0x3100;
	[dreg:$0xb] =	wrdreg s25  }
0xa: {  	s17 =	sshll.u32 s0, $0x1;
	s0 =	simm.s32 $0x3900;
	[dreg:$0xc] =	wrdreg s26  }
0xb: {  	s9 =	simm.s32 $0x6100;
	s10 =	simm.s32 $0x6900;
	[dreg:$0xd] =	wrdreg s0  }
0xc: {  	s11 =	simm.s32 $0x7100;
	s12 =	simm.s32 $0x7900;
	[dreg:$0x12] =	wrdreg s9  }
0xd: {  	s13 =	simm.s32 $0x8100;
	s14 =	simm.s32 $0x8900;
	[dreg:$0x13] =	wrdreg s10  }
0xe: {  	s15 =	simm.s32 $0x9100;
	s16 =	simm.s32 $0x9900;
	[dreg:$0x14] =	wrdreg s11  }
0xf: {  	s28 =	simm.s32 $0x16900;
	s29 =	simm.s32 $0x17100;
	[dreg:$0x15] =	wrdreg s12  }
0x10: {  	s30 =	simm.s32 $0x17900;
	s31 =	simm.s32 $0x2;
	[dreg:$0x16] =	wrdreg s13  }
0x11: {  	s6 =	sor.u32 s5, s17;
	s17 =	ssub.s32 $0x2, s5;
	[dreg:$0x17] =	wrdreg s14  }
0x12: {  	s7 =	sshll.u32 s6, $0x5;
	s8 =	smul.u32 $0x18000, s6;
	[dreg:$0x18] =	wrdreg s15  }
0x13: {  	s6 =	smul.u32 $0x3000, s6;
	[dreg:$0x19] =	wrdreg s16;
	s5 =	sshrl.u32 s17, $0x1  }
0x14: {  	s21 =	simm.s32 $0xB100;
	s22 =	simm.s32 $0xB900;
	s23 =	simm.s32 $0xC900  }
0x15: {  	s24 =	simm.s32 $0xD100;
	s25 =	simm.s32 $0xD900;
	[dreg:$0x1c] =	wrdreg s21  }
0x16: {  	s26 =	simm.s32 $0xE100;
	s9 =	simm.s32 $0x1;
	[dreg:$0x1d] =	wrdreg s22  }
0x17: {  	s10 =	simm.s32 $0xC100;
	s12 =	simm.s32 $0xF100;
	[dreg:$0x1e] =	wrdreg s23  }
0x18: {  	s13 =	simm.s32 $0xF900;
	s14 =	simm.s32 $0x10100;
	[dreg:$0x1f] =	wrdreg s24  }
0x19: {  	s15 =	simm.s32 $0x10900;
	s16 =	simm.s32 $0x11100;
	[smem:$0x7FC] =	sst s25  }
0x1a: {  	s1 =	sadd.s32 s7, s1;
	s7 =	simm.s32 $0x5100;
	[smem:$0x7FD] =	sst s26  }
0x1b: {  	s21 =	simm.s32 $0x13900;
	s22 =	simm.s32 $0x14100;
	s23 =	simm.s32 $0x14900  }
0x1c: {  	s24 =	simm.s32 $0x15100;
	s1 =	sadd.s32 $0x1400, s1;
	[dreg:$0x10] =	wrdreg s7  }
0x1d: {  	s25 =	simm.s32 $0x15900;
	s19 =	sadd.s32 s4, s6;
	[dreg:$0x4] =	wrdreg s1  }
0x1e: {  	s26 =	simm.s32 $0x16100;
	s6 =	simm.s32 $0x4900;
	[dreg:$0x5] =	wrdreg s19  }
0x1f: {  	s18 =	sshrl.u32 s8, $0x3;
	s8 =	simm.s32 $0x5900;
	[dreg:$0xf] =	wrdreg s6  }
0x20: {  	s4 =	sadd.s32 s4, s18;
	[dreg:$0x11] =	wrdreg s8;
	s18 =	simm.s32 $0xA100  }
0x21: {  	s7 =	simm.s32 $0x4;
	s19 =	simm.s32 $0xA900;
	[dreg:$0x1a] =	wrdreg s18  }
0x22: {  	s8 =	simm.s32 $0x100;
	s20 =	sadd.s32 $0x1800, s4;
	[dreg:$0x1b] =	wrdreg s19  }
0x23: {  	s1 =	simm.s32 $0x3;
	s4 =	simm.s32 $0x4100;
	[dreg:$0x6] =	wrdreg s20  }
0x24: {  	v2 =	vlaneseq.u32;
	s18 =	simm.s32 $0x12100;
	s19 =	simm.s32 $0x12900;
	[dreg:$0xe] =	wrdreg s4  }
0x25: {  	vm0 =	vmmov $0xffff;
	v1 =	vshrl.u32 v2, $0x3;
	s20 =	ssub.s32 s17, s5;
	s4 =	sadd.s32 $0x100, s2;
	s5 =	sadd.s32 $0x200, s2  }
0x26: {  	v0 =	vand.u32 $0x7, v2;
	v2 =	vor.u32 $0x8, v2;
	v1 =	vmul.u32 $0x8, v1;
	s17 =	simm.s32 $0x11900;
	s6 =	smax.u32 s20, $0x1;
	s20 =	simm.s32 $0x13100  }
.LBB2_1:
0x27: {  	s0 =	rddreg [dreg:$0x4]  }
0x28: {  	[tilespmem:s3], [sflag:$0x4] =	stream.linear.gather [hbm4b:s0+s3], $0x100, $0x38;
	[tilespmem:$0x18100] =	vst v63  }
0x29: {  	_ =	swait.ge [sflag:s7], $0x100  }
0x2a: {  	[sflag:s7] =	ssyncset.done $0x0  }
0x2b: {  	[sflag:s7] =	ssyncadd.s32 $0xFFFFFF00  }
0x2c: {  	v3 =	vld [tilespmem:$0x0];
	_ =	sdelay $0x4  }
0x2d: {  	v4 =	vshrl.u32 v3, $0x3  }
0x2e: {  	v4 =	vmul.u32 $0x30, v4  }
0x2f: {  	v3 =	vand.u32 $0x7, v3  }
0x30: {  	v3 =	vor.u32 v3, v4  }
0x31: {  	v4 =	vperm.xlane v3, v0;
	_ =	sdelay $0x1  }
0x32: {  	v4 =	vadd.s32 v1, v4;
	_ =	sdelay $0x3  }
0x33: {  	v3 =	vperm.xlane v3, v2  }
0x34: {  	[tilespmem:s8], [sflag:$0x1] =	stream.indirect_vreg.gather [hbm4b:s2+s3], $0x80, v4, vm0, $0xb8;
	[tilespmem:$0x18100] =	vst v63  }
0x35: {  	s0 =	rddreg [dreg:$0x7];
	v3 =	vadd.s32 v1, v3  }
0x36: {  	[tilespmem:s0], [sflag:$0x1] =	stream.indirect_vreg.gather [hbm4b:s4+s3], $0x80, v4, vm0, $0xb8;
	[tilespmem:$0x18100] =	vst v63  }
0x37: {  	s11 =	rddreg [dreg:$0x8]  }
0x38: {  	[tilespmem:s11], [sflag:$0x1] =	stream.indirect_vreg.gather [hbm4b:s5+s3], $0x80, v4, vm0, $0xb8;
	[tilespmem:$0x18100] =	vst v63  }
0x39: {  	s0 =	rddreg [dreg:$0x9]  }
0x3a: {  	[tilespmem:s0], [sflag:$0x1] =	stream.indirect_vreg.gather [hbm4b:s2+s3], $0x80, v3, vm0, $0xb8;
	[tilespmem:$0x18100] =	vst v63  }
0x3b: {  	s11 =	rddreg [dreg:$0xa]  }
0x3c: {  	[tilespmem:s11], [sflag:$0x1] =	stream.indirect_vreg.gather [hbm4b:s4+s3], $0x80, v3, vm0, $0xb8;
	[tilespmem:$0x18100] =	vst v63  }
0x3d: {  	s0 =	rddreg [dreg:$0xb]  }
0x3e: {  	[tilespmem:s0], [sflag:$0x1] =	stream.indirect_vreg.gather [hbm4b:s5+s3], $0x80, v3, vm0, $0xb8;
	[tilespmem:$0x18100] =	vst v63  }
0x3f: {  	v3 =	vld [tilespmem:$0x10];
	_ =	sdelay $0x4  }
0x40: {  	v57 =	vshrl.u32 v3, $0x3  }
0x41: {  	v4 =	vmul.u32 $0x30, v57  }
0x42: {  	v3 =	vand.u32 $0x7, v3  }
0x43: {  	v3 =	vor.u32 v3, v4  }
0x44: {  	v4 =	vperm.xlane v3, v0;
	_ =	sdelay $0x1  }
0x45: {  	v4 =	vadd.s32 v1, v4;
	_ =	sdelay $0x3  }
0x46: {  	s0 =	rddreg [dreg:$0xc];
	v3 =	vperm.xlane v3, v2  }
0x47: {  	[tilespmem:s0], [sflag:$0x1] =	stream.indirect_vreg.gather [hbm4b:s2+s3], $0x80, v4, vm0, $0xb8;
	[tilespmem:$0x18100] =	vst v63  }
0x48: {  	s11 =	rddreg [dreg:$0xd];
	v3 =	vadd.s32 v1, v3  }
0x49: {  	[tilespmem:s11], [sflag:$0x1] =	stream.indirect_vreg.gather [hbm4b:s4+s3], $0x80, v4, vm0, $0xb8;
	[tilespmem:$0x18100] =	vst v63  }
0x4a: {  	s0 =	rddreg [dreg:$0xe]  }
0x4b: {  	[tilespmem:s0], [sflag:$0x1] =	stream.indirect_vreg.gather [hbm4b:s5+s3], $0x80, v4, vm0, $0xb8;
	[tilespmem:$0x18100] =	vst v63  }
0x4c: {  	s11 =	rddreg [dreg:$0xf]  }
0x4d: {  	[tilespmem:s11], [sflag:$0x1] =	stream.indirect_vreg.gather [hbm4b:s2+s3], $0x80, v3, vm0, $0xb8;
	[tilespmem:$0x18100] =	vst v63  }
0x4e: {  	s0 =	rddreg [dreg:$0x10]  }
0x4f: {  	[tilespmem:s0], [sflag:$0x1] =	stream.indirect_vreg.gather [hbm4b:s4+s3], $0x80, v3, vm0, $0xb8;
	[tilespmem:$0x18100] =	vst v63  }
0x50: {  	s11 =	rddreg [dreg:$0x11]  }
0x51: {  	[tilespmem:s11], [sflag:$0x1] =	stream.indirect_vreg.gather [hbm4b:s5+s3], $0x80, v3, vm0, $0xb8;
	[tilespmem:$0x18100] =	vst v63  }
0x52: {  	v3 =	vld [tilespmem:$0x20];
	_ =	sdelay $0x4  }
0x53: {  	v58 =	vshrl.u32 v3, $0x3  }
0x54: {  	v4 =	vmul.u32 $0x30, v58  }
0x55: {  	v3 =	vand.u32 $0x7, v3  }
0x56: {  	v3 =	vor.u32 v3, v4  }
0x57: {  	v4 =	vperm.xlane v3, v0;
	_ =	sdelay $0x1  }
0x58: {  	v4 =	vadd.s32 v1, v4;
	_ =	sdelay $0x3  }
0x59: {  	s0 =	rddreg [dreg:$0x12];
	v3 =	vperm.xlane v3, v2  }
0x5a: {  	[tilespmem:s0], [sflag:$0x1] =	stream.indirect_vreg.gather [hbm4b:s2+s3], $0x80, v4, vm0, $0xb8;
	[tilespmem:$0x18100] =	vst v63  }
0x5b: {  	s11 =	rddreg [dreg:$0x13];
	v3 =	vadd.s32 v1, v3  }
0x5c: {  	[tilespmem:s11], [sflag:$0x1] =	stream.indirect_vreg.gather [hbm4b:s4+s3], $0x80, v4, vm0, $0xb8;
	[tilespmem:$0x18100] =	vst v63  }
0x5d: {  	s0 =	rddreg [dreg:$0x14]  }
0x5e: {  	[tilespmem:s0], [sflag:$0x1] =	stream.indirect_vreg.gather [hbm4b:s5+s3], $0x80, v4, vm0, $0xb8;
	[tilespmem:$0x18100] =	vst v63  }
0x5f: {  	s11 =	rddreg [dreg:$0x15]  }
0x60: {  	[tilespmem:s11], [sflag:$0x1] =	stream.indirect_vreg.gather [hbm4b:s2+s3], $0x80, v3, vm0, $0xb8;
	[tilespmem:$0x18100] =	vst v63  }
0x61: {  	s0 =	rddreg [dreg:$0x16]  }
0x62: {  	[tilespmem:s0], [sflag:$0x1] =	stream.indirect_vreg.gather [hbm4b:s4+s3], $0x80, v3, vm0, $0xb8;
	[tilespmem:$0x18100] =	vst v63  }
0x63: {  	s11 =	rddreg [dreg:$0x17]  }
0x64: {  	[tilespmem:s11], [sflag:$0x1] =	stream.indirect_vreg.gather [hbm4b:s5+s3], $0x80, v3, vm0, $0xb8;
	[tilespmem:$0x18100] =	vst v63  }
0x65: {  	v3 =	vld [tilespmem:$0x30];
	_ =	sdelay $0x4  }
0x66: {  	v59 =	vshrl.u32 v3, $0x3  }
0x67: {  	v4 =	vmul.u32 $0x30, v59  }
0x68: {  	v3 =	vand.u32 $0x7, v3  }
0x69: {  	v3 =	vor.u32 v3, v4  }
0x6a: {  	v4 =	vperm.xlane v3, v0;
	_ =	sdelay $0x1  }
0x6b: {  	v4 =	vadd.s32 v1, v4;
	_ =	sdelay $0x3  }
0x6c: {  	s0 =	rddreg [dreg:$0x18];
	v3 =	vperm.xlane v3, v2  }
0x6d: {  	[tilespmem:s0], [sflag:$0x1] =	stream.indirect_vreg.gather [hbm4b:s2+s3], $0x80, v4, vm0, $0xb8;
	[tilespmem:$0x18100] =	vst v63  }
0x6e: {  	s11 =	rddreg [dreg:$0x19];
	v3 =	vadd.s32 v1, v3  }
0x6f: {  	[tilespmem:s11], [sflag:$0x1] =	stream.indirect_vreg.gather [hbm4b:s4+s3], $0x80, v4, vm0, $0xb8;
	[tilespmem:$0x18100] =	vst v63  }
0x70: {  	s0 =	rddreg [dreg:$0x1a]  }
0x71: {  	[tilespmem:s0], [sflag:$0x1] =	stream.indirect_vreg.gather [hbm4b:s5+s3], $0x80, v4, vm0, $0xb8;
	[tilespmem:$0x18100] =	vst v63  }
0x72: {  	s11 =	rddreg [dreg:$0x1b]  }
0x73: {  	[tilespmem:s11], [sflag:$0x1] =	stream.indirect_vreg.gather [hbm4b:s2+s3], $0x80, v3, vm0, $0xb8;
	[tilespmem:$0x18100] =	vst v63  }
0x74: {  	s0 =	rddreg [dreg:$0x1c]  }
0x75: {  	[tilespmem:s0], [sflag:$0x1] =	stream.indirect_vreg.gather [hbm4b:s4+s3], $0x80, v3, vm0, $0xb8;
	[tilespmem:$0x18100] =	vst v63  }
0x76: {  	s11 =	rddreg [dreg:$0x1d]  }
0x77: {  	[tilespmem:s11], [sflag:$0x1] =	stream.indirect_vreg.gather [hbm4b:s5+s3], $0x80, v3, vm0, $0xb8;
	[tilespmem:$0x18100] =	vst v63  }
0x78: {  	_ =	swait.ge [sflag:s9], $0xC000  }
0x79: {  	[sflag:s9] =	ssyncset.done $0x0  }
0x7a: {  	[sflag:s9] =	ssyncadd.s32 $0xFFFF4000  }
0x7b: {  	v3 =	vld [tilespmem:$0x80];
	_ =	sdelay $0x4  }
0x7c: {  	v60 =	vshrl.u32 v3, $0x3  }
0x7d: {  	v4 =	vmul.u32 $0x30, v60  }
0x7e: {  	v3 =	vand.u32 $0x7, v3  }
0x7f: {  	v3 =	vor.u32 v3, v4  }
0x80: {  	v4 =	vperm.xlane v3, v0;
	_ =	sdelay $0x1  }
0x81: {  	v4 =	vadd.s32 v1, v4;
	_ =	sdelay $0x3  }
0x82: {  	s0 =	rddreg [dreg:$0x1e];
	v3 =	vperm.xlane v3, v2  }
0x83: {  	[tilespmem:s10], [sflag:$0x1] =	stream.indirect_vreg.gather [hbm4b:s2+s3], $0x80, v4, vm0, $0xb8;
	[tilespmem:$0x18100] =	vst v63  }
0x84: {  	s11 =	rddreg [dreg:$0x1f];
	v3 =	vadd.s32 v1, v3  }
0x85: {  	[tilespmem:s0], [sflag:$0x1] =	stream.indirect_vreg.gather [hbm4b:s4+s3], $0x80, v4, vm0, $0xb8;
	[tilespmem:$0x18100] =	vst v63  }
0x86: {  	s0 =	sld [smem:$0x7FC]  }
0x87: {  	[tilespmem:s11], [sflag:$0x1] =	stream.indirect_vreg.gather [hbm4b:s5+s3], $0x80, v4, vm0, $0xb8;
	[tilespmem:$0x18100] =	vst v63  }
0x88: {  	s11 =	sld [smem:$0x7FD]  }
0x89: {  	[tilespmem:s0], [sflag:$0x1] =	stream.indirect_vreg.gather [hbm4b:s2+s3], $0x80, v3, vm0, $0xb8;
	[tilespmem:$0x18100] =	vst v63  }
0x8a: {  	_ = 	snop  }
0x8b: {  	[tilespmem:s11], [sflag:$0x1] =	stream.indirect_vreg.gather [hbm4b:s4+s3], $0x80, v3, vm0, $0xb8;
	[tilespmem:$0x18100] =	vst v63  }
0x8c: {  	s11 =	simm.s32 $0xE900  }
0x8d: {  	[tilespmem:s11], [sflag:$0x1] =	stream.indirect_vreg.gather [hbm4b:s5+s3], $0x80, v3, vm0, $0xb8;
	[tilespmem:$0x18100] =	vst v63  }
0x8e: {  	v3 =	vld [tilespmem:$0x90];
	_ =	sdelay $0x4  }
0x8f: {  	v61 =	vshrl.u32 v3, $0x3  }
0x90: {  	v4 =	vmul.u32 $0x30, v61  }
0x91: {  	v3 =	vand.u32 $0x7, v3  }
0x92: {  	v3 =	vor.u32 v3, v4  }
0x93: {  	v4 =	vperm.xlane v3, v0;
	_ =	sdelay $0x1  }
0x94: {  	v4 =	vadd.s32 v1, v4;
	_ =	sdelay $0x3  }
0x95: {  	v3 =	vperm.xlane v3, v2  }
0x96: {  	[tilespmem:s12], [sflag:$0x1] =	stream.indirect_vreg.gather [hbm4b:s2+s3], $0x80, v4, vm0, $0xb8;
	[tilespmem:$0x18100] =	vst v63  }
0x97: {  	v3 =	vadd.s32 v1, v3  }
0x98: {  	[tilespmem:s13], [sflag:$0x1] =	stream.indirect_vreg.gather [hbm4b:s4+s3], $0x80, v4, vm0, $0xb8;
	[tilespmem:$0x18100] =	vst v63  }
0x99: {  	_ = 	snop  }
0x9a: {  	[tilespmem:s14], [sflag:$0x1] =	stream.indirect_vreg.gather [hbm4b:s5+s3], $0x80, v4, vm0, $0xb8;
	[tilespmem:$0x18100] =	vst v63  }
0x9b: {  	_ = 	snop  }
0x9c: {  	[tilespmem:s15], [sflag:$0x1] =	stream.indirect_vreg.gather [hbm4b:s2+s3], $0x80, v3, vm0, $0xb8;
	[tilespmem:$0x18100] =	vst v63  }
0x9d: {  	_ = 	snop  }
0x9e: {  	[tilespmem:s16], [sflag:$0x1] =	stream.indirect_vreg.gather [hbm4b:s4+s3], $0x80, v3, vm0, $0xb8;
	[tilespmem:$0x18100] =	vst v63  }
0x9f: {  	_ = 	snop  }
0xa0: {  	[tilespmem:s17], [sflag:$0x1] =	stream.indirect_vreg.gather [hbm4b:s5+s3], $0x80, v3, vm0, $0xb8;
	[tilespmem:$0x18100] =	vst v63  }
0xa1: {  	v3 =	vld [tilespmem:$0xA0];
	_ =	sdelay $0x4  }
0xa2: {  	v62 =	vshrl.u32 v3, $0x3  }
0xa3: {  	v4 =	vmul.u32 $0x30, v62  }
0xa4: {  	v3 =	vand.u32 $0x7, v3  }
0xa5: {  	v3 =	vor.u32 v3, v4  }
0xa6: {  	v4 =	vperm.xlane v3, v0;
	_ =	sdelay $0x1  }
0xa7: {  	v4 =	vadd.s32 v1, v4;
	_ =	sdelay $0x3  }
0xa8: {  	v3 =	vperm.xlane v3, v2  }
0xa9: {  	[tilespmem:s18], [sflag:$0x1] =	stream.indirect_vreg.gather [hbm4b:s2+s3], $0x80, v4, vm0, $0xb8;
	[tilespmem:$0x18100] =	vst v63  }
0xaa: {  	v3 =	vadd.s32 v1, v3  }
0xab: {  	[tilespmem:s19], [sflag:$0x1] =	stream.indirect_vreg.gather [hbm4b:s4+s3], $0x80, v4, vm0, $0xb8;
	[tilespmem:$0x18100] =	vst v63  }
0xac: {  	_ = 	snop  }
0xad: {  	[tilespmem:s20], [sflag:$0x1] =	stream.indirect_vreg.gather [hbm4b:s5+s3], $0x80, v4, vm0, $0xb8;
	[tilespmem:$0x18100] =	vst v63  }
0xae: {  	_ = 	snop  }
0xaf: {  	[tilespmem:s21], [sflag:$0x1] =	stream.indirect_vreg.gather [hbm4b:s2+s3], $0x80, v3, vm0, $0xb8;
	[tilespmem:$0x18100] =	vst v63  }
0xb0: {  	_ = 	snop  }
0xb1: {  	[tilespmem:s22], [sflag:$0x1] =	stream.indirect_vreg.gather [hbm4b:s4+s3], $0x80, v3, vm0, $0xb8;
	[tilespmem:$0x18100] =	vst v63  }
0xb2: {  	_ = 	snop  }
0xb3: {  	[tilespmem:s23], [sflag:$0x1] =	stream.indirect_vreg.gather [hbm4b:s5+s3], $0x80, v3, vm0, $0xb8;
	[tilespmem:$0x18100] =	vst v63  }
0xb4: {  	v3 =	vld [tilespmem:$0xB0];
	_ =	sdelay $0x4  }
0xb5: {  	v63 =	vshrl.u32 v3, $0x3  }
0xb6: {  	v4 =	vmul.u32 $0x30, v63  }
0xb7: {  	v3 =	vand.u32 $0x7, v3  }
0xb8: {  	v3 =	vor.u32 v3, v4  }
0xb9: {  	v4 =	vperm.xlane v3, v0;
	_ =	sdelay $0x1  }
0xba: {  	v4 =	vadd.s32 v1, v4;
	_ =	sdelay $0x3  }
0xbb: {  	v3 =	vperm.xlane v3, v2  }
0xbc: {  	[tilespmem:s24], [sflag:$0x1] =	stream.indirect_vreg.gather [hbm4b:s2+s3], $0x80, v4, vm0, $0xb8;
	[tilespmem:$0x18100] =	vst v63  }
0xbd: {  	v3 =	vadd.s32 v1, v3  }
0xbe: {  	[tilespmem:s25], [sflag:$0x1] =	stream.indirect_vreg.gather [hbm4b:s4+s3], $0x80, v4, vm0, $0xb8;
	[tilespmem:$0x18100] =	vst v63  }
0xbf: {  	_ = 	snop  }
0xc0: {  	[tilespmem:s26], [sflag:$0x1] =	stream.indirect_vreg.gather [hbm4b:s5+s3], $0x80, v4, vm0, $0xb8;
	[tilespmem:$0x18100] =	vst v63  }
0xc1: {  	_ = 	snop  }
0xc2: {  	[tilespmem:s28], [sflag:$0x1] =	stream.indirect_vreg.gather [hbm4b:s2+s3], $0x80, v3, vm0, $0xb8;
	[tilespmem:$0x18100] =	vst v63  }
0xc3: {  	_ = 	snop  }
0xc4: {  	[tilespmem:s29], [sflag:$0x1] =	stream.indirect_vreg.gather [hbm4b:s4+s3], $0x80, v3, vm0, $0xb8;
	[tilespmem:$0x18100] =	vst v63  }
0xc5: {  	_ = 	snop  }
0xc6: {  	[tilespmem:s30], [sflag:$0x1] =	stream.indirect_vreg.gather [hbm4b:s5+s3], $0x80, v3, vm0, $0xb8;
	[tilespmem:$0x18100] =	vst v63  }
0xc7: {  	s11 =	rddreg [dreg:$0x5]  }
0xc8: {  	[hbm4b:s11+s3] =	stream.linear.scatter [tilespmem:s8], [sflag:$0x2], $0xC000, $0x38;
	[tilespmem:$0x18100] =	vst v63  }
0xc9: {  	_ =	swait.ge [sflag:s9], $0xC000  }
0xca: {  	[sflag:s9] =	ssyncset.done $0x0  }
0xcb: {  	[sflag:s9] =	ssyncadd.s32 $0xFFFF4000  }
0xcc: {  	_ =	swait.ge [sflag:s31], $0xC000  }
0xcd: {  	p0 =	sne.s32 s6, $0x1;
	[sflag:s31] =	ssyncset.done $0x0  }
.Ltmp0:
0xce: {  	s11 =	rddreg [dreg:$0x6];
	[sflag:s31] =	ssyncadd.s32 $0xFFFF4000;
	(pc) =	sbr.rel @p0 .LBB2_1-.Ltmp0, $4  }
0xcf: {  	[hbm4b:s11+s3] =	stream.linear.scatter [tilespmem:s10], [sflag:$0x3], $0xC000, $0x38;
	[tilespmem:$0x18100] =	vst v63  }
0xd0: {  	_ =	swait.ge [sflag:s1], $0xC000  }
0xd1: {  	[sflag:s1] =	ssyncset.done $0x0  }
0xd2: {  	s6 =	sadd.s32 $0xFFFFFFFF, s6;
	[sflag:s1] =	ssyncadd.s32 $0xFFFF4000  }
0xd3: {  	_ =	sfence.sel $0x180000  }
0xd4: {  	[bflag:$0x0] =	sbarrier.arrive $0xFFFF  }
0xd5: {  	_ =	strace $0x90000047  }
0xd6: {  	s0 =	stileid.u32;
	[bflag:$0x2] =	sbarrier.arrive $0xFFFF  }
0xd7: {  	p0 =	sne.s32 s0, $0x0;
	s0 =	rddreg [dreg:$0x3]  }
0xd8: {  	s0 =	sadd.s32 @!p0 $0x100000, s0  }
0xd9: {  	[sflag:s0] =	ssyncadd.tile.s32 @!p0 $0x1;
	_ =	shalt  }
.Lfunc_end2:
_tile_overlayer_lowered:
.L_overlay_start_2:
0xda: {  	(tag) =	ssettag $0x2  }
0xdb: {  	s0 =	rddreg [dreg:$0x0];
	s2 =	stileid.u32  }
0xdc: {  	s1 =	rddreg [dreg:$0x1];
	p0 =	sne.s32 s2, $0x0  }
0xdd: {  	s3 =	rddreg [dreg:$0x2];
	[bflag:$0x3] =	sbarrier.arrive $0xFFFF;
	s2 =	simm.s32 @!p0 $0x1C04  }
0xde: {  	[timem:s3], [sflag:s2] =	dma.local @!p0 [hbm:s0], s1  }
0xdf: {  	s0 =	simm.s32 @!p0 $0x4  }
0xe0: {  	_ =	swait.ge @!p0 [sflag:s0], s1  }
0xe1: {  	s1 =	ssub.s32 @!p0 $0x0, s1;
	[sflag:s0] =	ssyncset.done @!p0 $0x0  }
0xe2: {  	[sflag:s0] =	ssyncadd.s32 @!p0 s1  }
0xe3: {  	[bflag:$0x3] =	sbarrier.arrive $0xFFFF  }
0xe4: {  	_ =	shalt  }

// kernel: kernel.9.cloned.1.call-start
scs
__scs_entry_jumppad:
0x0: {  	(pc) =	sbr.rel $0x88, $3  }
0x1: {  	(tag) =	ssettag $0x0;
	lr =	simm.s32 $0x1  }
0x2: {  	[smem:$0x3F9C] =	sst lr;
	_ =	strace $0xD0000000  }
0x3: {  	_ = 	snop  }
0x4: {  	_ = 	snop  }
0x5: {  	_ = 	snop  }
0x6: {  	_ = 	snop  }
0x7: {  	_ = 	snop  }
__scs_overlays_trampoline_lowered:
0x8: {  	[smem:$0x3FAB] =	sst s0  }
0x9: {  	[smem:$0x3FAC] =	sst s1  }
0xa: {  	[smem:$0x3FAD] =	sst s2  }
0xb: {  	[smem:$0x3FAE] =	sst s3  }
0xc: {  	[smem:$0x3FAF] =	sst s4  }
0xd: {  	[smem:$0x3FB0] =	sst s5  }
0xe: {  	[smem:$0x3FB1] =	sst s6  }
0xf: {  	[smem:$0x3FB2] =	sst s7  }
0x10: {  	[smem:$0x3FB3] =	sst s8  }
0x11: {  	[smem:$0x3FB4] =	sst s9;
	s0 =	simm.s32 @!p0 $0x0  }
0x12: {  	s1 =	sld [smem:$0x3F9A];
	s0 =	simm.s32 @p0 $0x1  }
0x13: {  	[smem:$0x3FB5] =	sst s0;
	s0 =	simm.s32 @!p1 $0x0  }
0x14: {  	s2 =	sld [smem:$0x3F99];
	s0 =	simm.s32 @p1 $0x1  }
0x15: {  	[smem:$0x3FB6] =	sst s0;
	s0 =	simm.s32 @!p2 $0x0  }
0x16: {  	s3 =	sld [smem:$0x3FDB];
	s0 =	simm.s32 @p2 $0x1  }
0x17: {  	s4 =	simm.s32 $0x1BF5;
	[smem:$0x3FB8] =	sst s0  }
0x18: {  	s0 =	sld [smem:$0x3F9B];
	_ =	swait.ge [sflag:s4], $0x0  }
0x19: {  	s7 =	sld [smem:$0x3F9C]  }
0x1a: {  	s8 =	sadd.s32 $0xFFFFE003, lr  }
0x1b: {  	s9 =	sadd.s32 $0xFFFFFEF7, lr;
	s5 =	simm.s32 $0xFFFFFFFF;
	p2 =	slt.u32 s8, $0xFFFFF086  }
0x1c: {  	p1 =	slt.u32 s9, $0xF7A;
	s5 =	simm.s32 @!p2 $0x0  }
0x1d: {  	s5 =	simm.s32 @p1 $0x1;
	p0 =	seq.s32 s7, s2  }
0x1e: {  	s7 =	smul.u32 @!p0 $0xF7A, s2;
	p2 =	seq.s32 @!p0 s5, $0x0  }
0x1f: {  	s9 =	smul.u32 $0xF7A, s1;
	s8 =	simm.s32 @!p0 $0x1BF5;
	p2 =	por !p2, p0  }
0x20: {  	[sflag:s8] =	ssyncset.s32 @!p0 $0xFFFFF086;
	s6 =	sadd.s32 @!p0 s3, s7;
	s7 =	simm.s32 @!p0 $0x108  }
0x21: {  	s3 =	sadd.s32 s3, s9;
	s6 =	sadd.s32 @!p0 $0x88, s6;
	s7 =	simm.s32 @p2 $0x1082  }
0x22: {  	[simem:s7], [sflag:s8] =	dma.local @!p0 [hbm:s6], $0xF7A  }
0x23: {  	s9 =	sor.u32 $0xD0000000, s2;
	s6 =	simm.s32 $0x108;
	_ =	swait.ge @!p0 [sflag:s8], $0x0  }
0x24: {  	s3 =	sadd.s32 $0x88, s3;
	s6 =	simm.s32 @!p1 $0x1082;
	[sflag:s4] =	ssyncset.s32 $0xFFFFF086  }
0x25: {  	[simem:s6], [sflag:s4] =	dma.local [hbm:s3], $0xF7A  }
0x26: {  	[smem:$0x3F9C] =	sst s1;
	(tag) =	ssettag s2;
	_ =	strace s9  }
0x27: {  	s1 =	sld [smem:$0x3FAC]  }
0x28: {  	s2 =	sld [smem:$0x3FAD]  }
0x29: {  	s4 =	sld [smem:$0x3FAF]  }
0x2a: {  	p0 =	seq.s32 s5, $0x0;
	s5 =	sld [smem:$0x3FB0]  }
0x2b: {  	s6 =	sld [smem:$0x3FB1]  }
0x2c: {  	s7 =	sld [smem:$0x3FB2]  }
0x2d: {  	s3 =	simm.s32 $0x108;
	s8 =	sld [smem:$0x3FB3]  }
0x2e: {  	s3 =	simm.s32 @!p0 $0x1082;
	s9 =	sld [smem:$0x3FB4]  }
0x2f: {  	lr =	sadd.s32 s0, s3;
	s0 =	sld [smem:$0x3FAB]  }
0x30: {  	s3 =	sld [smem:$0x3FAE]  }
0x31: {  	[smem:$0x3FB7] =	sst s10  }
0x32: {  	s10 =	sld [smem:$0x3FB5];
	_ =	sdelay $0x3  }
0x33: {  	p0 =	seq.s32 s10, $0x1;
	s10 =	sld [smem:$0x3FB7];
	_ =	sdelay $0x3  }
0x34: {  	[smem:$0x3FB7] =	sst s10  }
0x35: {  	s10 =	sld [smem:$0x3FB6];
	_ =	sdelay $0x3  }
0x36: {  	p1 =	seq.s32 s10, $0x1;
	s10 =	sld [smem:$0x3FB7];
	_ =	sdelay $0x3  }
0x37: {  	[smem:$0x3FB7] =	sst s10  }
0x38: {  	s10 =	sld [smem:$0x3FB8]  }
0x39: {  	_ = 	snop;
	(pc) =	sbr.ind lr, $3  }
0x3a: {  	_ = 	snop  }
0x3b: {  	_ = 	snop  }
0x3c: {  	p2 =	seq.s32 s10, $0x1;
	s10 =	sld [smem:$0x3FB7]  }
0x3d: {  	_ =	shalt  }
0x3e: {  	_ =	shalt  }
0x3f: {  	_ =	shalt  }
0x40: {  	_ =	shalt  }
0x41: {  	_ =	shalt  }
0x42: {  	_ =	shalt  }
0x43: {  	_ =	shalt  }
0x44: {  	_ =	shalt  }
0x45: {  	_ =	shalt  }
0x46: {  	_ =	shalt  }
0x47: {  	_ =	shalt  }
0x48: {  	_ =	shalt  }
0x49: {  	_ =	shalt  }
0x4a: {  	_ =	shalt  }
0x4b: {  	_ =	shalt  }
0x4c: {  	_ =	shalt  }
0x4d: {  	_ =	shalt  }
0x4e: {  	_ =	shalt  }
0x4f: {  	_ =	shalt  }
0x50: {  	_ =	shalt  }
0x51: {  	_ =	shalt  }
0x52: {  	_ =	shalt  }
0x53: {  	_ =	shalt  }
0x54: {  	_ =	shalt  }
0x55: {  	_ =	shalt  }
0x56: {  	_ =	shalt  }
0x57: {  	_ =	shalt  }
0x58: {  	_ =	shalt  }
0x59: {  	_ =	shalt  }
0x5a: {  	_ =	shalt  }
0x5b: {  	_ =	shalt  }
0x5c: {  	_ =	shalt  }
0x5d: {  	_ =	shalt  }
0x5e: {  	_ =	shalt  }
0x5f: {  	_ =	shalt  }
0x60: {  	_ =	shalt  }
0x61: {  	_ =	shalt  }
0x62: {  	_ =	shalt  }
0x63: {  	_ =	shalt  }
0x64: {  	_ =	shalt  }
0x65: {  	_ =	shalt  }
0x66: {  	_ =	shalt  }
0x67: {  	_ =	shalt  }
0x68: {  	_ =	shalt  }
0x69: {  	_ =	shalt  }
0x6a: {  	_ =	shalt  }
0x6b: {  	_ =	shalt  }
0x6c: {  	_ =	shalt  }
0x6d: {  	_ =	shalt  }
0x6e: {  	_ =	shalt  }
0x6f: {  	_ =	shalt  }
0x70: {  	_ =	shalt  }
0x71: {  	_ =	shalt  }
0x72: {  	_ =	shalt  }
0x73: {  	_ =	shalt  }
0x74: {  	_ =	shalt  }
0x75: {  	_ =	shalt  }
0x76: {  	_ =	shalt  }
0x77: {  	_ =	shalt  }
0x78: {  	_ =	shalt  }
0x79: {  	_ =	shalt  }
0x7a: {  	_ =	shalt  }
0x7b: {  	_ =	shalt  }
0x7c: {  	_ =	shalt  }
0x7d: {  	_ =	shalt  }
0x7e: {  	_ =	shalt  }
0x7f: {  	_ =	shalt  }
0x80: {  	_ =	shalt  }
0x81: {  	_ =	shalt  }
0x82: {  	_ =	shalt  }
0x83: {  	_ =	shalt  }
0x84: {  	_ =	shalt  }
0x85: {  	_ =	shalt  }
0x86: {  	_ =	shalt  }
0x87: {  	_ =	shalt  }
.Lfunc_end0:
.L_simem_size_0:
called_computation.1_lowered:
.L_overlay_start_0:
0x88: {  	s2 =	sld [smem:$0x3FD9]  }
0x89: {  	s3 =	sld [smem:$0x3FFE];
	_ =	sdelay $0x1  }
0x8a: {  	s1 =	srdreg.scid  }
0x8b: {  	s0 =	sand.u32 $0x1, s1  }
0x8c: {  	s17 =	sshll.u32 s0, $0xA;
	s2 =	sadd.s32 s3, s2  }
0x8d: {  	s2 =	sadd.s32 s2, s17  }
0x8e: {  	[smem:$0x3FC3] =	sst s2  }
0x8f: {  	_ = 	snop  }
0x90: {  	s18 =	sld [smem:$0x3FC8];
	(tm) =	ssettm $0x1  }
0x91: {  	s19 =	sld [smem:$0x3FFB];
	_ =	sdelay $0x3  }
0x92: {  	_ =	strace s19  }
0x93: {  	s2 =	sld [smem:$0x3FFC];
	_ =	sdelay $0x3  }
0x94: {  	_ =	strace s2  }
0x95: {  	s2 =	sld [smem:$0x3FFD];
	_ =	sdelay $0x3  }
0x96: {  	_ =	strace s2  }
0x97: {  	_ =	strace $0x8FFFFFFF  }
0x98: {  	s20 =	sld [smem:$0x3FDB];
	_ =	sdelay $0x1  }
0x99: {  	s4 =	simm.s32 $_scs_section_size  }
0x9a: {  	s5 =	simm.s32 $_size__tile_overlayer_lowered;
	s6 =	simm.s32 $_tile_overlayer_lowered  }
0x9b: {  	s7 =	simm.s32 $0x1BFF;
	s21 =	sshll.u32 s6, $0x1;
	s4 =	sadd.s32 s4, s20  }
0x9c: {  	s22 =	simm.s32 $0x0;
	s5 =	sshll.u32 s5, $0x1;
	s6 =	sadd.s32 s21, s4  }
0x9d: {  	[timem:s22], [sflag:s7] =	dma.local [hbm:s6], s5  }
0x9e: {  	_ =	swait.ge [sflag:s7], s5  }
0x9f: {  	s5 =	ssub.s32 $0x0, s5;
	[sflag:s7] =	ssyncset.done $0x0  }
0xa0: {  	[sflag:s7] =	ssyncadd.s32 s5;
	_ =	sdelay $0x1  }
0xa1: {  	s23 =	simm.s32 $0x1B8B  }
0xa2: {  	_ =	swait.ge [sflag:s23], $0x1  }
0xa3: {  	[sflag:s23] =	ssyncset.done $0x0  }
0xa4: {  	[sflag:s23] =	ssyncadd.s32 $0xFFFFFFFF  }
0xa5: {  	s5 =	sld [smem:$0x0]  }
0xa6: {  	s6 =	sand.u32 $0xFFFFFFFE, s1  }
0xa7: {  	p0 =	sne.s32 s1, s6  }
0xa8: {  	s6 =	sshll.u32 @p0 s6, $0xE  }
0xa9: {  	s6 =	sadd.s32 @p0 $0x11B8D, s6;
	s7 =	sshll.u32 @p0 s5, $0x11  }
0xaa: {  	s6 =	sor.u32 @p0 s7, s6  }
0xab: {  	[sflag:s6] =	ssyncadd.remote.s32 @p0 $0x1;
	_ =	sdelay $0x1  }
0xac: {  	s6 =	simm.s32 @p0 $0x1B8D  }
0xad: {  	_ =	swait.eq @p0 [sflag:s6], $0x1  }
0xae: {  	[sflag:s6] =	ssyncadd.s32 @p0 $0xFFFFFFFF  }
0xaf: {  	s7 =	sshll.u32 @!p0 s1, $0xE  }
0xb0: {  	s7 =	sor.u32 @!p0 $0x4000, s7;
	s6 =	simm.s32 @!p0 $0x1B8D  }
0xb1: {  	s5 =	sshll.u32 @!p0 s5, $0x11;
	s7 =	sadd.s32 @!p0 $0x11B8D, s7;
	_ =	swait.eq @!p0 [sflag:s6], $0x1  }
0xb2: {  	s5 =	sor.u32 @!p0 s5, s7;
	[sflag:s6] =	ssyncadd.s32 @!p0 $0xFFFFFFFF  }
0xb3: {  	s25 =	simm.s32 $0x1B8E;
	s24 =	sld [smem:$0x3FFE];
	[sflag:s5] =	ssyncadd.remote.s32 @!p0 $0x1  }
0xb4: {  	s26 =	simm.s32 $execute0_lowered;
	[smem:$0x3FD2] =	sst s25  }
0xb5: {  	s6 =	sshll.u32 s26, $0x1;
	_ =	strace $0x80000049;
	[dreg:$0x1] =	wrdreg $0xFFFFFFFF  }
0xb6: {  	s28 =	simm.s32 $_size_execute0_lowered;
	s4 =	sadd.s32 s4, s6;
	[dreg:$0x0] =	wrdreg $0x0  }
0xb7: {  	s6 =	sshll.u32 s28, $0x1;
	[dreg:$0x2] =	wrdreg s4  }
0xb8: {  	[dreg:$0x3] =	wrdreg s6  }
0xb9: {  	[dreg:$0x4] =	wrdreg $0xC0  }
0xba: {  	_ =	task [dreg:s22], $0x5FFFF  }
0xbb: {  	[dreg:$0x1] =	wrdreg $0xFFFFFFFF  }
0xbc: {  	[dreg:$0x0] =	wrdreg $0x60  }
0xbd: {  	[dreg:$0x2] =	wrdreg s24  }
0xbe: {  	[dreg:$0x3] =	wrdreg s18  }
0xbf: {  	[dreg:$0x4] =	wrdreg $0xA  }
0xc0: {  	_ =	task.clear_ibuf [dreg:s22], $0x5FFFF;
	_ =	strace $0x90000049  }
0xc1: {  	s29 =	simm.s32 $0xA;
	_ =	strace $0x8000004B  }
0xc2: {  	_ =	swait.ge [sflag:s29], $0x1  }
0xc3: {  	[sflag:s29] =	ssyncadd.s32 $0xFFFFFFFF  }
0xc4: {  	_ =	strace $0x9000004B  }
0xc5: {  	_ =	sfence  }
0xc6: {  	s30 =	sld [smem:$0x0];
	_ =	sdelay $0x2  }
0xc7: {  	s31 =	sshll.u32 s1, $0xD;
	s1 =	sshrl.u32 s1, $0x2  }
0xc8: {  	s4 =	sand.u32 $0x4000, s31;
	s1 =	sadd.s32 s1, s30  }
0xc9: {  	s0 =	sor.u32 s4, s0;
	s1 =	sshll.u32 s1, $0x11  }
0xca: {  	s0 =	sor.u32 s1, s0  }
0xcb: {  	s0 =	sadd.s32 $0x8F2B, s0  }
0xcc: {  	[sflag:s0] =	ssyncadd.remote.s32 $0x1  }
0xcd: {  	_ =	sfence.sel $0xFFFF  }
0xce: {  	[dreg:$0x0] =	wrdreg $0xFFFFFFFF;
	(pc) =	sbr.abs _section_cstart, $3  }
0xcf: {  	[dreg:$0x1] =	wrdreg $0xFFFFFFFF  }
0xd0: {  	_ =	task.clear_ibuf [dreg:s22], $0x2FFFF;
	_ =	strace $0x9FFFFFFF  }
0xd1: {  	(tm) =	ssettm $0x7FFFFFFF  }
tec
execute0_lowered:
.L_overlay_start_1:
0x0: {  	(tag) =	ssettag $0x1  }
0x1: {  	s1 =	rddreg [dreg:$0x0];
	s3 =	srdreg.scid  }
0x2: {  	s2 =	rddreg [dreg:$0x1];
	s4 =	sand.u32 $0x1, s3;
	s3 =	simm.s32 $0x0  }
0x3: {  	s21 =	simm.s32 $0x900;
	[smem:$0x7FF] =	sst s3  }
0x4: {  	s22 =	simm.s32 $0x1100;
	_ =	strace $0x8000004A;
	[dreg:$0x6] =	wrdreg s21  }
0x5: {  	s23 =	simm.s32 $0x1900;
	[dreg:$0x7] =	wrdreg s22  }
0x6: {  	s24 =	simm.s32 $0x2100;
	[dreg:$0x8] =	wrdreg s23  }
0x7: {  	s25 =	simm.s32 $0x2900;
	[dreg:$0x9] =	wrdreg s24  }
0x8: {  	s0 =	stileid.u32;
	s26 =	simm.s32 $0x3100;
	[dreg:$0xa] =	wrdreg s25  }
0x9: {  	s5 =	sshll.u32 s0, $0x1;
	s0 =	simm.s32 $0x3900;
	[dreg:$0xb] =	wrdreg s26  }
0xa: {  	s8 =	simm.s32 $0x5900;
	[dreg:$0xc] =	wrdreg s0  }
0xb: {  	s9 =	simm.s32 $0x6100;
	[dreg:$0x10] =	wrdreg s8  }
0xc: {  	s10 =	simm.s32 $0x6900;
	s11 =	simm.s32 $0x7100;
	[dreg:$0x11] =	wrdreg s9  }
0xd: {  	s12 =	simm.s32 $0x7900;
	s13 =	simm.s32 $0x8100;
	[dreg:$0x12] =	wrdreg s10  }
0xe: {  	s14 =	simm.s32 $0x8900;
	s15 =	simm.s32 $0x9100;
	[dreg:$0x13] =	wrdreg s11  }
0xf: {  	s16 =	simm.s32 $0x9900;
	s17 =	simm.s32 $0xA100;
	[dreg:$0x14] =	wrdreg s12  }
0x10: {  	s19 =	simm.s32 $0xA900;
	s28 =	simm.s32 $0x16900;
	[dreg:$0x15] =	wrdreg s13  }
0x11: {  	s29 =	simm.s32 $0x17100;
	s30 =	simm.s32 $0x17900;
	[dreg:$0x16] =	wrdreg s14  }
0x12: {  	s31 =	simm.s32 $0x2;
	s5 =	sor.u32 s4, s5;
	[dreg:$0x17] =	wrdreg s15  }
0x13: {  	s4 =	ssub.s32 $0x2, s4;
	s7 =	smul.u32 $0x18000, s5;
	[dreg:$0x18] =	wrdreg s16  }
0x14: {  	s6 =	sshll.u32 s5, $0x5;
	s5 =	smul.u32 $0x3000, s5;
	[dreg:$0x19] =	wrdreg s17  }
0x15: {  	s18 =	sshrl.u32 s4, $0x1;
	[dreg:$0x1a] =	wrdreg s19;
	s21 =	simm.s32 $0xB100  }
0x16: {  	s22 =	simm.s32 $0xB900;
	s23 =	simm.s32 $0xC900;
	s24 =	simm.s32 $0xD100  }
0x17: {  	s25 =	simm.s32 $0xD900;
	s8 =	simm.s32 $0x100;
	s26 =	simm.s32 $0xE100  }
0x18: {  	s9 =	simm.s32 $0x1;
	s10 =	simm.s32 $0xC100;
	s12 =	simm.s32 $0xF100  }
0x19: {  	s13 =	simm.s32 $0xF900;
	s14 =	simm.s32 $0x10100;
	[dreg:$0x1b] =	wrdreg s21  }
0x1a: {  	s15 =	simm.s32 $0x10900;
	s16 =	simm.s32 $0x11100;
	[dreg:$0x1c] =	wrdreg s22  }
0x1b: {  	s17 =	simm.s32 $0x11900;
	s19 =	simm.s32 $0x12900;
	[dreg:$0x1d] =	wrdreg s23  }
0x1c: {  	s6 =	sadd.s32 s6, s1;
	s1 =	sadd.s32 $0x1C00, s1;
	[dreg:$0x1e] =	wrdreg s24  }
0x1d: {  	s20 =	ssub.s32 s4, s18;
	s4 =	sadd.s32 $0x100, s2;
	[dreg:$0x1f] =	wrdreg s25  }
0x1e: {  	[smem:$0x7FD] =	sst s26;
	s18 =	simm.s32 $0x12100;
	s21 =	simm.s32 $0x13900  }
0x1f: {  	s22 =	simm.s32 $0x14100;
	s23 =	simm.s32 $0x14900;
	s6 =	sadd.s32 $0x1800, s6  }
0x20: {  	s24 =	simm.s32 $0x15100;
	s5 =	sadd.s32 s1, s5;
	[dreg:$0x3] =	wrdreg s6  }
0x21: {  	s25 =	simm.s32 $0x15900;
	[dreg:$0x4] =	wrdreg s5;
	s5 =	simm.s32 $0x4100  }
0x22: {  	s7 =	sshrl.u32 s7, $0x3;
	s6 =	simm.s32 $0x4900;
	[dreg:$0xd] =	wrdreg s5  }
0x23: {  	s1 =	sadd.s32 s1, s7;
	s7 =	simm.s32 $0x5100;
	[dreg:$0xe] =	wrdreg s6  }
0x24: {  	v2 =	vlaneseq.u32;
	s26 =	simm.s32 $0x16100;
	s1 =	sadd.s32 $0x1800, s1;
	[dreg:$0xf] =	wrdreg s7  }
0x25: {  	vm0 =	vmmov $0xffff;
	v1 =	vshrl.u32 v2, $0x3;
	s5 =	sadd.s32 $0x200, s2;
	s6 =	smax.u32 s20, $0x1;
	s7 =	simm.s32 $0x4  }
0x26: {  	v0 =	vand.u32 $0x7, v2;
	v2 =	vor.u32 $0x8, v2;
	v1 =	vmul.u32 $0x8, v1;
	s20 =	simm.s32 $0x13100;
	[dreg:$0x5] =	wrdreg s1;
	s1 =	simm.s32 $0x3  }
.LBB2_1:
0x27: {  	s0 =	rddreg [dreg:$0x3]  }
0x28: {  	[tilespmem:s3], [sflag:$0x4] =	stream.linear.gather [hbm4b:s0+s3], $0x100, $0x38;
	[tilespmem:$0x18100] =	vst v63  }
0x29: {  	_ =	swait.ge [sflag:s7], $0x100  }
0x2a: {  	[sflag:s7] =	ssyncset.done $0x0  }
0x2b: {  	[sflag:s7] =	ssyncadd.s32 $0xFFFFFF00  }
0x2c: {  	v3 =	vld [tilespmem:$0x0];
	_ =	sdelay $0x4  }
0x2d: {  	v4 =	vshrl.u32 v3, $0x3  }
0x2e: {  	v4 =	vmul.u32 $0x30, v4  }
0x2f: {  	v3 =	vand.u32 $0x7, v3  }
0x30: {  	v3 =	vor.u32 v3, v4  }
0x31: {  	v4 =	vperm.xlane v3, v0;
	_ =	sdelay $0x1  }
0x32: {  	v4 =	vadd.s32 v1, v4;
	_ =	sdelay $0x3  }
0x33: {  	v3 =	vperm.xlane v3, v2  }
0x34: {  	[tilespmem:s8], [sflag:$0x1] =	stream.indirect_vreg.gather [hbm4b:s2+s3], $0x80, v4, vm0, $0xb8;
	[tilespmem:$0x18100] =	vst v63  }
0x35: {  	s0 =	rddreg [dreg:$0x6];
	v3 =	vadd.s32 v1, v3  }
0x36: {  	[tilespmem:s0], [sflag:$0x1] =	stream.indirect_vreg.gather [hbm4b:s4+s3], $0x80, v4, vm0, $0xb8;
	[tilespmem:$0x18100] =	vst v63  }
0x37: {  	s11 =	rddreg [dreg:$0x7]  }
0x38: {  	[tilespmem:s11], [sflag:$0x1] =	stream.indirect_vreg.gather [hbm4b:s5+s3], $0x80, v4, vm0, $0xb8;
	[tilespmem:$0x18100] =	vst v63  }
0x39: {  	s0 =	rddreg [dreg:$0x8]  }
0x3a: {  	[tilespmem:s0], [sflag:$0x1] =	stream.indirect_vreg.gather [hbm4b:s2+s3], $0x80, v3, vm0, $0xb8;
	[tilespmem:$0x18100] =	vst v63  }
0x3b: {  	s11 =	rddreg [dreg:$0x9]  }
0x3c: {  	[tilespmem:s11], [sflag:$0x1] =	stream.indirect_vreg.gather [hbm4b:s4+s3], $0x80, v3, vm0, $0xb8;
	[tilespmem:$0x18100] =	vst v63  }
0x3d: {  	s0 =	rddreg [dreg:$0xa]  }
0x3e: {  	[tilespmem:s0], [sflag:$0x1] =	stream.indirect_vreg.gather [hbm4b:s5+s3], $0x80, v3, vm0, $0xb8;
	[tilespmem:$0x18100] =	vst v63  }
0x3f: {  	v3 =	vld [tilespmem:$0x10];
	_ =	sdelay $0x4  }
0x40: {  	v57 =	vshrl.u32 v3, $0x3  }
0x41: {  	v4 =	vmul.u32 $0x30, v57  }
0x42: {  	v3 =	vand.u32 $0x7, v3  }
0x43: {  	v3 =	vor.u32 v3, v4  }
0x44: {  	v4 =	vperm.xlane v3, v0;
	_ =	sdelay $0x1  }
0x45: {  	v4 =	vadd.s32 v1, v4;
	_ =	sdelay $0x3  }
0x46: {  	s0 =	rddreg [dreg:$0xb];
	v3 =	vperm.xlane v3, v2  }
0x47: {  	[tilespmem:s0], [sflag:$0x1] =	stream.indirect_vreg.gather [hbm4b:s2+s3], $0x80, v4, vm0, $0xb8;
	[tilespmem:$0x18100] =	vst v63  }
0x48: {  	s11 =	rddreg [dreg:$0xc];
	v3 =	vadd.s32 v1, v3  }
0x49: {  	[tilespmem:s11], [sflag:$0x1] =	stream.indirect_vreg.gather [hbm4b:s4+s3], $0x80, v4, vm0, $0xb8;
	[tilespmem:$0x18100] =	vst v63  }
0x4a: {  	s0 =	rddreg [dreg:$0xd]  }
0x4b: {  	[tilespmem:s0], [sflag:$0x1] =	stream.indirect_vreg.gather [hbm4b:s5+s3], $0x80, v4, vm0, $0xb8;
	[tilespmem:$0x18100] =	vst v63  }
0x4c: {  	s11 =	rddreg [dreg:$0xe]  }
0x4d: {  	[tilespmem:s11], [sflag:$0x1] =	stream.indirect_vreg.gather [hbm4b:s2+s3], $0x80, v3, vm0, $0xb8;
	[tilespmem:$0x18100] =	vst v63  }
0x4e: {  	s0 =	rddreg [dreg:$0xf]  }
0x4f: {  	[tilespmem:s0], [sflag:$0x1] =	stream.indirect_vreg.gather [hbm4b:s4+s3], $0x80, v3, vm0, $0xb8;
	[tilespmem:$0x18100] =	vst v63  }
0x50: {  	s11 =	rddreg [dreg:$0x10]  }
0x51: {  	[tilespmem:s11], [sflag:$0x1] =	stream.indirect_vreg.gather [hbm4b:s5+s3], $0x80, v3, vm0, $0xb8;
	[tilespmem:$0x18100] =	vst v63  }
0x52: {  	v3 =	vld [tilespmem:$0x20];
	_ =	sdelay $0x4  }
0x53: {  	v58 =	vshrl.u32 v3, $0x3  }
0x54: {  	v4 =	vmul.u32 $0x30, v58  }
0x55: {  	v3 =	vand.u32 $0x7, v3  }
0x56: {  	v3 =	vor.u32 v3, v4  }
0x57: {  	v4 =	vperm.xlane v3, v0;
	_ =	sdelay $0x1  }
0x58: {  	v4 =	vadd.s32 v1, v4;
	_ =	sdelay $0x3  }
0x59: {  	s0 =	rddreg [dreg:$0x11];
	v3 =	vperm.xlane v3, v2  }
0x5a: {  	[tilespmem:s0], [sflag:$0x1] =	stream.indirect_vreg.gather [hbm4b:s2+s3], $0x80, v4, vm0, $0xb8;
	[tilespmem:$0x18100] =	vst v63  }
0x5b: {  	s11 =	rddreg [dreg:$0x12];
	v3 =	vadd.s32 v1, v3  }
0x5c: {  	[tilespmem:s11], [sflag:$0x1] =	stream.indirect_vreg.gather [hbm4b:s4+s3], $0x80, v4, vm0, $0xb8;
	[tilespmem:$0x18100] =	vst v63  }
0x5d: {  	s0 =	rddreg [dreg:$0x13]  }
0x5e: {  	[tilespmem:s0], [sflag:$0x1] =	stream.indirect_vreg.gather [hbm4b:s5+s3], $0x80, v4, vm0, $0xb8;
	[tilespmem:$0x18100] =	vst v63  }
0x5f: {  	s11 =	rddreg [dreg:$0x14]  }
0x60: {  	[tilespmem:s11], [sflag:$0x1] =	stream.indirect_vreg.gather [hbm4b:s2+s3], $0x80, v3, vm0, $0xb8;
	[tilespmem:$0x18100] =	vst v63  }
0x61: {  	s0 =	rddreg [dreg:$0x15]  }
0x62: {  	[tilespmem:s0], [sflag:$0x1] =	stream.indirect_vreg.gather [hbm4b:s4+s3], $0x80, v3, vm0, $0xb8;
	[tilespmem:$0x18100] =	vst v63  }
0x63: {  	s11 =	rddreg [dreg:$0x16]  }
0x64: {  	[tilespmem:s11], [sflag:$0x1] =	stream.indirect_vreg.gather [hbm4b:s5+s3], $0x80, v3, vm0, $0xb8;
	[tilespmem:$0x18100] =	vst v63  }
0x65: {  	v3 =	vld [tilespmem:$0x30];
	_ =	sdelay $0x4  }
0x66: {  	v59 =	vshrl.u32 v3, $0x3  }
0x67: {  	v4 =	vmul.u32 $0x30, v59  }
0x68: {  	v3 =	vand.u32 $0x7, v3  }
0x69: {  	v3 =	vor.u32 v3, v4  }
0x6a: {  	v4 =	vperm.xlane v3, v0;
	_ =	sdelay $0x1  }
0x6b: {  	v4 =	vadd.s32 v1, v4;
	_ =	sdelay $0x3  }
0x6c: {  	s0 =	rddreg [dreg:$0x17];
	v3 =	vperm.xlane v3, v2  }
0x6d: {  	[tilespmem:s0], [sflag:$0x1] =	stream.indirect_vreg.gather [hbm4b:s2+s3], $0x80, v4, vm0, $0xb8;
	[tilespmem:$0x18100] =	vst v63  }
0x6e: {  	s11 =	rddreg [dreg:$0x18];
	v3 =	vadd.s32 v1, v3  }
0x6f: {  	[tilespmem:s11], [sflag:$0x1] =	stream.indirect_vreg.gather [hbm4b:s4+s3], $0x80, v4, vm0, $0xb8;
	[tilespmem:$0x18100] =	vst v63  }
0x70: {  	s0 =	rddreg [dreg:$0x19]  }
0x71: {  	[tilespmem:s0], [sflag:$0x1] =	stream.indirect_vreg.gather [hbm4b:s5+s3], $0x80, v4, vm0, $0xb8;
	[tilespmem:$0x18100] =	vst v63  }
0x72: {  	s11 =	rddreg [dreg:$0x1a]  }
0x73: {  	[tilespmem:s11], [sflag:$0x1] =	stream.indirect_vreg.gather [hbm4b:s2+s3], $0x80, v3, vm0, $0xb8;
	[tilespmem:$0x18100] =	vst v63  }
0x74: {  	s0 =	rddreg [dreg:$0x1b]  }
0x75: {  	[tilespmem:s0], [sflag:$0x1] =	stream.indirect_vreg.gather [hbm4b:s4+s3], $0x80, v3, vm0, $0xb8;
	[tilespmem:$0x18100] =	vst v63  }
0x76: {  	s11 =	rddreg [dreg:$0x1c]  }
0x77: {  	[tilespmem:s11], [sflag:$0x1] =	stream.indirect_vreg.gather [hbm4b:s5+s3], $0x80, v3, vm0, $0xb8;
	[tilespmem:$0x18100] =	vst v63  }
0x78: {  	_ =	swait.ge [sflag:s9], $0xC000  }
0x79: {  	[sflag:s9] =	ssyncset.done $0x0  }
0x7a: {  	[sflag:s9] =	ssyncadd.s32 $0xFFFF4000  }
0x7b: {  	v3 =	vld [tilespmem:$0x80];
	_ =	sdelay $0x4  }
0x7c: {  	v60 =	vshrl.u32 v3, $0x3  }
0x7d: {  	v4 =	vmul.u32 $0x30, v60  }
0x7e: {  	v3 =	vand.u32 $0x7, v3  }
0x7f: {  	v3 =	vor.u32 v3, v4  }
0x80: {  	v4 =	vperm.xlane v3, v0;
	_ =	sdelay $0x1  }
0x81: {  	v4 =	vadd.s32 v1, v4;
	_ =	sdelay $0x3  }
0x82: {  	s0 =	rddreg [dreg:$0x1d];
	v3 =	vperm.xlane v3, v2  }
0x83: {  	[tilespmem:s10], [sflag:$0x1] =	stream.indirect_vreg.gather [hbm4b:s2+s3], $0x80, v4, vm0, $0xb8;
	[tilespmem:$0x18100] =	vst v63  }
0x84: {  	s11 =	rddreg [dreg:$0x1e];
	v3 =	vadd.s32 v1, v3  }
0x85: {  	[tilespmem:s0], [sflag:$0x1] =	stream.indirect_vreg.gather [hbm4b:s4+s3], $0x80, v4, vm0, $0xb8;
	[tilespmem:$0x18100] =	vst v63  }
0x86: {  	s0 =	rddreg [dreg:$0x1f]  }
0x87: {  	[tilespmem:s11], [sflag:$0x1] =	stream.indirect_vreg.gather [hbm4b:s5+s3], $0x80, v4, vm0, $0xb8;
	[tilespmem:$0x18100] =	vst v63  }
0x88: {  	s11 =	sld [smem:$0x7FD]  }
0x89: {  	[tilespmem:s0], [sflag:$0x1] =	stream.indirect_vreg.gather [hbm4b:s2+s3], $0x80, v3, vm0, $0xb8;
	[tilespmem:$0x18100] =	vst v63  }
0x8a: {  	_ = 	snop  }
0x8b: {  	[tilespmem:s11], [sflag:$0x1] =	stream.indirect_vreg.gather [hbm4b:s4+s3], $0x80, v3, vm0, $0xb8;
	[tilespmem:$0x18100] =	vst v63  }
0x8c: {  	s11 =	simm.s32 $0xE900  }
0x8d: {  	[tilespmem:s11], [sflag:$0x1] =	stream.indirect_vreg.gather [hbm4b:s5+s3], $0x80, v3, vm0, $0xb8;
	[tilespmem:$0x18100] =	vst v63  }
0x8e: {  	v3 =	vld [tilespmem:$0x90];
	_ =	sdelay $0x4  }
0x8f: {  	v61 =	vshrl.u32 v3, $0x3  }
0x90: {  	v4 =	vmul.u32 $0x30, v61  }
0x91: {  	v3 =	vand.u32 $0x7, v3  }
0x92: {  	v3 =	vor.u32 v3, v4  }
0x93: {  	v4 =	vperm.xlane v3, v0;
	_ =	sdelay $0x1  }
0x94: {  	v4 =	vadd.s32 v1, v4;
	_ =	sdelay $0x3  }
0x95: {  	v3 =	vperm.xlane v3, v2  }
0x96: {  	[tilespmem:s12], [sflag:$0x1] =	stream.indirect_vreg.gather [hbm4b:s2+s3], $0x80, v4, vm0, $0xb8;
	[tilespmem:$0x18100] =	vst v63  }
0x97: {  	v3 =	vadd.s32 v1, v3  }
0x98: {  	[tilespmem:s13], [sflag:$0x1] =	stream.indirect_vreg.gather [hbm4b:s4+s3], $0x80, v4, vm0, $0xb8;
	[tilespmem:$0x18100] =	vst v63  }
0x99: {  	_ = 	snop  }
0x9a: {  	[tilespmem:s14], [sflag:$0x1] =	stream.indirect_vreg.gather [hbm4b:s5+s3], $0x80, v4, vm0, $0xb8;
	[tilespmem:$0x18100] =	vst v63  }
0x9b: {  	_ = 	snop  }
0x9c: {  	[tilespmem:s15], [sflag:$0x1] =	stream.indirect_vreg.gather [hbm4b:s2+s3], $0x80, v3, vm0, $0xb8;
	[tilespmem:$0x18100] =	vst v63  }
0x9d: {  	_ = 	snop  }
0x9e: {  	[tilespmem:s16], [sflag:$0x1] =	stream.indirect_vreg.gather [hbm4b:s4+s3], $0x80, v3, vm0, $0xb8;
	[tilespmem:$0x18100] =	vst v63  }
0x9f: {  	_ = 	snop  }
0xa0: {  	[tilespmem:s17], [sflag:$0x1] =	stream.indirect_vreg.gather [hbm4b:s5+s3], $0x80, v3, vm0, $0xb8;
	[tilespmem:$0x18100] =	vst v63  }
0xa1: {  	v3 =	vld [tilespmem:$0xA0];
	_ =	sdelay $0x4  }
0xa2: {  	v62 =	vshrl.u32 v3, $0x3  }
0xa3: {  	v4 =	vmul.u32 $0x30, v62  }
0xa4: {  	v3 =	vand.u32 $0x7, v3  }
0xa5: {  	v3 =	vor.u32 v3, v4  }
0xa6: {  	v4 =	vperm.xlane v3, v0;
	_ =	sdelay $0x1  }
0xa7: {  	v4 =	vadd.s32 v1, v4;
	_ =	sdelay $0x3  }
0xa8: {  	v3 =	vperm.xlane v3, v2  }
0xa9: {  	[tilespmem:s18], [sflag:$0x1] =	stream.indirect_vreg.gather [hbm4b:s2+s3], $0x80, v4, vm0, $0xb8;
	[tilespmem:$0x18100] =	vst v63  }
0xaa: {  	v3 =	vadd.s32 v1, v3  }
0xab: {  	[tilespmem:s19], [sflag:$0x1] =	stream.indirect_vreg.gather [hbm4b:s4+s3], $0x80, v4, vm0, $0xb8;
	[tilespmem:$0x18100] =	vst v63  }
0xac: {  	_ = 	snop  }
0xad: {  	[tilespmem:s20], [sflag:$0x1] =	stream.indirect_vreg.gather [hbm4b:s5+s3], $0x80, v4, vm0, $0xb8;
	[tilespmem:$0x18100] =	vst v63  }
0xae: {  	_ = 	snop  }
0xaf: {  	[tilespmem:s21], [sflag:$0x1] =	stream.indirect_vreg.gather [hbm4b:s2+s3], $0x80, v3, vm0, $0xb8;
	[tilespmem:$0x18100] =	vst v63  }
0xb0: {  	_ = 	snop  }
0xb1: {  	[tilespmem:s22], [sflag:$0x1] =	stream.indirect_vreg.gather [hbm4b:s4+s3], $0x80, v3, vm0, $0xb8;
	[tilespmem:$0x18100] =	vst v63  }
0xb2: {  	_ = 	snop  }
0xb3: {  	[tilespmem:s23], [sflag:$0x1] =	stream.indirect_vreg.gather [hbm4b:s5+s3], $0x80, v3, vm0, $0xb8;
	[tilespmem:$0x18100] =	vst v63  }
0xb4: {  	v3 =	vld [tilespmem:$0xB0];
	_ =	sdelay $0x4  }
0xb5: {  	v63 =	vshrl.u32 v3, $0x3  }
0xb6: {  	v4 =	vmul.u32 $0x30, v63  }
0xb7: {  	v3 =	vand.u32 $0x7, v3  }
0xb8: {  	v3 =	vor.u32 v3, v4  }
0xb9: {  	v4 =	vperm.xlane v3, v0;
	_ =	sdelay $0x1  }
0xba: {  	v4 =	vadd.s32 v1, v4;
	_ =	sdelay $0x3  }
0xbb: {  	v3 =	vperm.xlane v3, v2  }
0xbc: {  	[tilespmem:s24], [sflag:$0x1] =	stream.indirect_vreg.gather [hbm4b:s2+s3], $0x80, v4, vm0, $0xb8;
	[tilespmem:$0x18100] =	vst v63  }
0xbd: {  	v3 =	vadd.s32 v1, v3  }
0xbe: {  	[tilespmem:s25], [sflag:$0x1] =	stream.indirect_vreg.gather [hbm4b:s4+s3], $0x80, v4, vm0, $0xb8;
	[tilespmem:$0x18100] =	vst v63  }
0xbf: {  	_ = 	snop  }
0xc0: {  	[tilespmem:s26], [sflag:$0x1] =	stream.indirect_vreg.gather [hbm4b:s5+s3], $0x80, v4, vm0, $0xb8;
	[tilespmem:$0x18100] =	vst v63  }
0xc1: {  	_ = 	snop  }
0xc2: {  	[tilespmem:s28], [sflag:$0x1] =	stream.indirect_vreg.gather [hbm4b:s2+s3], $0x80, v3, vm0, $0xb8;
	[tilespmem:$0x18100] =	vst v63  }
0xc3: {  	_ = 	snop  }
0xc4: {  	[tilespmem:s29], [sflag:$0x1] =	stream.indirect_vreg.gather [hbm4b:s4+s3], $0x80, v3, vm0, $0xb8;
	[tilespmem:$0x18100] =	vst v63  }
0xc5: {  	_ = 	snop  }
0xc6: {  	[tilespmem:s30], [sflag:$0x1] =	stream.indirect_vreg.gather [hbm4b:s5+s3], $0x80, v3, vm0, $0xb8;
	[tilespmem:$0x18100] =	vst v63  }
0xc7: {  	s11 =	rddreg [dreg:$0x4]  }
0xc8: {  	[hbm4b:s11+s3] =	stream.linear.scatter [tilespmem:s8], [sflag:$0x2], $0xC000, $0x38;
	[tilespmem:$0x18100] =	vst v63  }
0xc9: {  	_ =	swait.ge [sflag:s9], $0xC000  }
0xca: {  	[sflag:s9] =	ssyncset.done $0x0  }
0xcb: {  	[sflag:s9] =	ssyncadd.s32 $0xFFFF4000  }
0xcc: {  	_ =	swait.ge [sflag:s31], $0xC000  }
0xcd: {  	p0 =	sne.s32 s6, $0x1;
	[sflag:s31] =	ssyncset.done $0x0  }
.Ltmp0:
0xce: {  	s11 =	rddreg [dreg:$0x5];
	[sflag:s31] =	ssyncadd.s32 $0xFFFF4000;
	(pc) =	sbr.rel @p0 .LBB2_1-.Ltmp0, $4  }
0xcf: {  	[hbm4b:s11+s3] =	stream.linear.scatter [tilespmem:s10], [sflag:$0x3], $0xC000, $0x38;
	[tilespmem:$0x18100] =	vst v63  }
0xd0: {  	_ =	swait.ge [sflag:s1], $0xC000  }
0xd1: {  	[sflag:s1] =	ssyncset.done $0x0  }
0xd2: {  	s6 =	sadd.s32 $0xFFFFFFFF, s6;
	[sflag:s1] =	ssyncadd.s32 $0xFFFF4000  }
0xd3: {  	_ =	sfence.sel $0x180000  }
0xd4: {  	[bflag:$0x0] =	sbarrier.arrive $0xFFFF  }
0xd5: {  	_ =	strace $0x9000004A  }
0xd6: {  	s0 =	stileid.u32;
	[bflag:$0x2] =	sbarrier.arrive $0xFFFF  }
0xd7: {  	p0 =	sne.s32 s0, $0x0;
	s0 =	rddreg [dreg:$0x2]  }
0xd8: {  	s0 =	sadd.s32 @!p0 $0x100000, s0  }
0xd9: {  	[sflag:s0] =	ssyncadd.tile.s32 @!p0 $0x1;
	_ =	shalt  }
.Lfunc_end2:
_tile_overlayer_lowered:
.L_overlay_start_2:
0xda: {  	(tag) =	ssettag $0x2  }
0xdb: {  	s0 =	rddreg [dreg:$0x0];
	s2 =	stileid.u32  }
0xdc: {  	s1 =	rddreg [dreg:$0x1];
	p0 =	sne.s32 s2, $0x0  }
0xdd: {  	s3 =	rddreg [dreg:$0x2];
	[bflag:$0x3] =	sbarrier.arrive $0xFFFF;
	s2 =	simm.s32 @!p0 $0x1C04  }
0xde: {  	[timem:s3], [sflag:s2] =	dma.local @!p0 [hbm:s0], s1  }
0xdf: {  	s0 =	simm.s32 @!p0 $0x4  }
0xe0: {  	_ =	swait.ge @!p0 [sflag:s0], s1  }
0xe1: {  	s1 =	ssub.s32 @!p0 $0x0, s1;
	[sflag:s0] =	ssyncset.done @!p0 $0x0  }
0xe2: {  	[sflag:s0] =	ssyncadd.s32 @!p0 s1  }
0xe3: {  	[bflag:$0x3] =	sbarrier.arrive $0xFFFF  }
0xe4: {  	_ =	shalt  }

</sc_bundles>
